<compile_context>
chip_gen: v7x
topology: tpu7x:2x2x1
jax: 0.10.2.dev20260603
libtpu: 0.0.44.dev20260713+nightly
codegen_flags: <defaults>
</compile_context>

<pallas_src>
import jax
import jax.numpy as jnp
from jax import lax
from jax.experimental import pallas as pl
from jax.experimental.pallas import tpu as pltpu
from jax.experimental.pallas import tpu_sc as plsc

_SEMEME = 100000
_MAX_NORM = 5.0
_DIM = 32
_K = 20
_NC, _NS = 2, 16
_NW = _NC * _NS
_G = 1024 * 50
_CM = 128
_NCH = _G // _CM
_CPW = 13

_SCALE_BLK = 8192
_Q = 32768
_LAST_BLK = 100001 // _SCALE_BLK


def _scale_body(t0_ref, t1_ref, t2_ref, t3_ref, o_ref):
    cols = []
    for t_ref in (t0_ref, t1_ref, t2_ref, t3_ref):
        t = t_ref[...]
        ss = jnp.sum(t * t, axis=0, keepdims=True)
        scale = jnp.minimum(1.0,
                            _MAX_NORM / jnp.maximum(jnp.sqrt(ss), 1e-7))
        cols.append((t * scale).T)
    o_ref[...] = jnp.concatenate(cols, axis=1)


def _quarter_spec(k):
    def index_map(i):
        return (0, jnp.minimum(i + k * 4, _LAST_BLK))
    return pl.BlockSpec((_DIM, _SCALE_BLK), index_map)


def _scale_table(table):
    tt = table.transpose(1, 0)
    return pl.pallas_call(
        _scale_body,
        grid=(4,),
        in_specs=[_quarter_spec(k) for k in range(4)],
        out_specs=pl.BlockSpec((_SCALE_BLK, 4 * _DIM), lambda i: (i, 0)),
        out_shape=jax.ShapeDtypeStruct((_Q, 4 * _DIM), jnp.float32),
    )(tt, tt, tt, tt)


def _sc_body(table_hbm, x_hbm, out_hbm, xs_v, idx_v, acc_v, recip_v, slab_v,
             ssem, gsem, osem):
    wid = lax.axis_index("s") * _NC + lax.axis_index("c")
    b0 = wid * 32

    zeros16 = jnp.zeros((16,), jnp.float32)
    iota16 = lax.iota(jnp.int32, 16)

    def stage(c, buf):
        pltpu.async_copy(
            x_hbm.at[pl.ds(jnp.minimum(4 * c, 46), 4), :, pl.ds(b0, 32)],
            xs_v.at[buf], ssem)

    stage(0, 0)

    def chunk_body(c, _):
        par = c & 1
        pltpu.make_async_copy(
            x_hbm.at[pl.ds(0, 4), :, pl.ds(0, 32)], xs_v.at[0], ssem).wait()

        @pl.when(c + 1 < _CPW)
        def _next_stage():
            stage(c + 1, (c + 1) & 1)

        def mb_body(mb, _):
            sl = mb >> 1
            bi0 = (mb & 1) * 16

            def j_body(j, s):
                v = xs_v[par, sl, j, pl.ds(bi0, 16)]
                idx_v[c, j, pl.ds(mb * 16, 16)] = (
                    ((v & (_Q - 1)) << 2) | ((v >> 15) & 3))
                return s + jnp.where(v < _SEMEME, 1.0, 0.0)

            s = lax.fori_loop(0, _K, j_body, zeros16, unroll=4)
            recip_v[c, pl.ds(mb * 16, 16)] = 1.0 / jnp.maximum(s, 1.0)
            return 0

        lax.fori_loop(0, _CM // 16, mb_body, 0)

        def z_body(i, _):
            acc_v[c, i, pl.ds(0, 16)] = zeros16
            acc_v[c, i, pl.ds(16, 16)] = zeros16
            return 0

        lax.fori_loop(0, _CM, z_body, 0, unroll=8)

        def fire(j, _):
            pltpu.async_copy(
                table_hbm.at[idx_v.at[c, j]], acc_v.at[c], gsem.at[c],
                add=True)
            return 0

        lax.fori_loop(0, _K, fire, 0)
        return 0

    lax.fori_loop(0, _CPW, chunk_body, 0)

    def out_chunk(c, _):
        def dr(i, _):
            pltpu.make_async_copy(
                table_hbm.at[idx_v.at[0, 0]], acc_v.at[0], gsem.at[c]).wait()
            return 0

        lax.fori_loop(0, _K, dr, 0)

        def s_b(si, _):
            s = c * 4 + si

            @pl.when(s < 50)
            def _emit():
                sp = s & 3

                @pl.when(s >= 4)
                def _wait_slab():
                    pltpu.make_async_copy(
                        slab_v.at[0, :, pl.ds(0, 32)],
                        out_hbm.at[0, :, pl.ds(0, 32)], osem).wait()

                m0 = (s & 3) * 32 + jnp.where(c == _CPW - 1, 64, 0)
                r0 = recip_v[c, pl.ds(m0, 16)]
                r1 = recip_v[c, pl.ds(m0 + 16, 16)]

                def bi_body(bi, _):
                    m = m0 + bi
                    col = jnp.broadcast_to(bi, (16,)).astype(jnp.int32)
                    plsc.store_scatter(slab_v.at[sp], [iota16, col],
                                       acc_v[c, m, pl.ds(0, 16)])
                    plsc.store_scatter(slab_v.at[sp], [iota16 + 16, col],
                                       acc_v[c, m, pl.ds(16, 16)])
                    return 0

                lax.fori_loop(0, 32, bi_body, 0)

                def d_body(d, _):
                    slab_v[sp, d, pl.ds(0, 16)] = (
                        slab_v[sp, d, pl.ds(0, 16)] * r0)
                    slab_v[sp, d, pl.ds(16, 16)] = (
                        slab_v[sp, d, pl.ds(16, 16)] * r1)
                    return 0

                lax.fori_loop(0, _DIM, d_body, 0, unroll=4)

                pltpu.async_copy(
                    slab_v.at[sp, :, pl.ds(0, 32)],
                    out_hbm.at[s, :, pl.ds(b0, 32)], osem)

            return 0

        lax.fori_loop(0, 4, s_b, 0)
        return 0

    lax.fori_loop(0, _CPW, out_chunk, 0)

    def drain_slabs(i, _):
        pltpu.make_async_copy(
            slab_v.at[0, :, pl.ds(0, 32)],
            out_hbm.at[0, :, pl.ds(0, 32)], osem).wait()
        return 0

    lax.fori_loop(0, 4, drain_slabs, 0)


@jax.jit
def _sc_embed(scaled_table, x_flat):
    mesh = plsc.VectorSubcoreMesh(
        core_axis_name="c", subcore_axis_name="s",
        num_cores=_NC, num_subcores=_NS,
    )
    return pl.kernel(
        _sc_body,
        out_type=jax.ShapeDtypeStruct((50, _DIM, 1024), jnp.float32),
        mesh=mesh,
        compiler_params=pltpu.CompilerParams(use_tc_tiling_on_sc=False,
                                             needs_layout_passes=False),
        scratch_types=[
            pltpu.VMEM((2, 4, _K, 32), jnp.int32),
            pltpu.VMEM((_CPW, _K, _CM), jnp.int32),
            pltpu.VMEM((_CPW, _CM, _DIM), jnp.float32),
            pltpu.VMEM((_CPW, _CM), jnp.float32),
            pltpu.VMEM((4, _DIM, 33), jnp.float32),
            pltpu.SemaphoreType.DMA,
            pltpu.SemaphoreType.DMA((_CPW,)),
            pltpu.SemaphoreType.DMA,
        ],
    )(scaled_table, x_flat)


def kernel(x, table):
    scaled = _scale_table(table).reshape(-1, _DIM)
    out = _sc_embed(scaled, x.transpose(1, 2, 0))
    return out.transpose(2, 0, 1)

# --- scband reference (transcript-rebuilt; emitter-appended) ---
"""Pipeline reference for scband-sememe-embedding-39187281609092 (READ-ONLY COPY).

The authoritative reference and input builder live on the scoring server;
editing this copy changes nothing except your own understanding.
"""

import jax, jax.numpy as jnp
import numpy as np

SEMEME_NUMBER = 100000
EMBEDDING_DIM = 32
MAX_NORM = 5.0


def setup_inputs(seed: int = 0) -> dict:
    key = jax.random.key(seed)
    k1, k2 = jax.random.split(key)
    # indices in [0, sememe_number]; value == sememe_number is the padding index
    x = jax.random.randint(k1, (1024, 50, 20), 0, SEMEME_NUMBER + 1, dtype=jnp.int32)
    # embedding table (sememe_number + 1 rows, padding row zeroed as in __init__)
    table = jax.random.normal(k2, (SEMEME_NUMBER + 1, EMBEDDING_DIM), dtype=jnp.float32)
    table = table.at[SEMEME_NUMBER].set(0.0)
    return {"x": x, "table": table}


def reference(x, table):
    # mask: 1.0 where index is a real sememe (< sememe_number), 0.0 for padding
    x_mask = (x < SEMEME_NUMBER).astype(jnp.float32)
    # embedding lookup (gather)
    emb = jnp.take(table, x, axis=0)
    # torch Embedding max_norm=5: rows are renormalized (no grad through scale)
    norms = jnp.linalg.norm(emb, axis=-1, keepdims=True)
    scale = jnp.minimum(1.0, MAX_NORM / jnp.maximum(norms, 1e-7))
    emb = emb * jax.lax.stop_gradient(scale)
    # padding row is zero in torch; multiplying by mask keeps forward identical
    # and matches padding_idx zero-gradient semantics
    emb = emb * x_mask[..., None]
    x_sum = jnp.sum(emb, axis=2)
    denom = jnp.maximum(jnp.sum(x_mask, axis=2, keepdims=True), 1.0)
    x_average = x_sum / denom
    return x_average

if __name__ == "__main__":
    import jax
    _d = setup_inputs()
    print(jax.jit(kernel)(*tuple(_d.values())))

</pallas_src>

<mosaic_0001>
#map = affine_map<(d0, d1) -> (0, 0)>
#map1 = affine_map<(d0, d1) -> (0, 0, 0)>
module attributes {stable_mosaic.version = 14 : i64} {
  func.func @_sc_body(%arg0: i32, %arg1: i32, %arg2: memref<131072x32xf32, #tpu.memory_space<hbm>>, %arg3: memref<50x20x1024xi32, #tpu.memory_space<hbm>>, %arg4: memref<50x32x1024xf32, #tpu.memory_space<hbm>>, %arg5: memref<2x4x20x32xi32, #tpu.memory_space<vmem>>, %arg6: memref<13x20x128xi32, #tpu.memory_space<vmem>>, %arg7: memref<13x128x32xf32, #tpu.memory_space<vmem>>, %arg8: memref<13x128xf32, #tpu.memory_space<vmem>>, %arg9: memref<4x32x33xf32, #tpu.memory_space<vmem>>, %arg10: memref<!tpu.dma_semaphore, #tpu.memory_space<semaphore_mem>>, %arg11: memref<13x!tpu.dma_semaphore, #tpu.memory_space<semaphore_mem>>, %arg12: memref<!tpu.dma_semaphore, #tpu.memory_space<semaphore_mem>>) attributes {dimension_semantics = [#tpu.dimension_semantics<core_parallel>, #tpu.dimension_semantics<subcore_parallel>], iteration_bounds = array<i64: 2, 16>, scalar_prefetch = 0 : i64, scratch_operands = 8 : i64, tpu.core_type = #tpu.core_type<sc_vector_subcore>, window_params = [{transform_indices = #map}, {transform_indices = #map1}, {transform_indices = #map1}]} {
    %mul3A = arith.constant 2 : i32
    %mul3A_0 = arith.muli %arg1, %mul3A : i32
    %add3A = arith.addi %mul3A_0, %arg0 : i32
    %mul3A_1 = arith.constant 32 : i32
    %mul3A_2 = arith.muli %add3A, %mul3A_1 : i32
    %broadcast_in_dim3A = arith.constant 0.000000e+00 : f32
    %broadcast_in_dim3A_3 = vector.broadcast %broadcast_in_dim3A : f32 to vector<16xf32>
    %iota3A = tpu.iota {dimensions = array<i32: 0>} : vector<16xi32>
    %min3A = arith.constant 0 : i32
    %min3A_4 = arith.constant 46 : i32
    %min3A_5 = arith.minsi %min3A, %min3A_4 : i32
    %dma_start3A = arith.constant 0 : i32
    %dma_start3A_6 = arith.constant 0 : i32
    %dma_start3A_7 = arith.constant 0 : i32
    %dma_start3A_8 = arith.constant 0 : i32
    %dma_start3A_9 = tpu.memref_slice %arg5[%dma_start3A, %dma_start3A_6, %dma_start3A_7, %dma_start3A_8] : memref<2x4x20x32xi32, #tpu.memory_space<vmem>> -> memref<1x4x20x32xi32, #tpu.memory_space<vmem>>
    %dma_start3A_10 = tpu.memref_squeeze %dma_start3A_9 : memref<1x4x20x32xi32, #tpu.memory_space<vmem>> -> memref<4x20x32xi32, #tpu.memory_space<vmem>>
    %dma_start3A_11 = arith.constant 0 : i32
    %dma_start3A_12 = tpu.memref_slice %arg3[%min3A_5, %dma_start3A_11, %mul3A_2] : memref<50x20x1024xi32, #tpu.memory_space<hbm>> -> memref<4x20x32xi32, #tpu.memory_space<hbm>>
    %dma_start3A_13 = arith.constant 0 : i32
    %dma_start3A_14 = arith.constant 0 : i32
    %dma_start3A_15 = arith.constant 0 : i32
    %dma_start3A_16 = tpu.memref_slice %arg5[%dma_start3A, %dma_start3A_13, %dma_start3A_14, %dma_start3A_15] : memref<2x4x20x32xi32, #tpu.memory_space<vmem>> -> memref<1x4x20x32xi32, #tpu.memory_space<vmem>>
    %dma_start3A_17 = tpu.memref_squeeze %dma_start3A_16 : memref<1x4x20x32xi32, #tpu.memory_space<vmem>> -> memref<4x20x32xi32, #tpu.memory_space<vmem>>
    %dma_start3A_18 = arith.constant 0 : i32
    %dma_start3A_19 = tpu.memref_slice %arg3[%min3A_5, %dma_start3A_18, %mul3A_2] : memref<50x20x1024xi32, #tpu.memory_space<hbm>> -> memref<4x20x32xi32, #tpu.memory_space<hbm>>
    tpu.enqueue_dma source(%dma_start3A_19 : memref<4x20x32xi32, #tpu.memory_space<hbm>>) target(%dma_start3A_17 : memref<4x20x32xi32, #tpu.memory_space<vmem>>) target_semaphore(%arg10 : memref<!tpu.dma_semaphore, #tpu.memory_space<semaphore_mem>>)
    %scan3A = arith.constant 0 : i32
    %scan3A_20 = arith.constant 0 : i32
    %scan3A_21 = arith.constant 13 : i32
    %scan3A_22 = arith.addi %scan3A_20, %scan3A_21 : i32
    %scan3A_23 = arith.constant 1 : i32
    %scan3A_24 = scf.for %scan3A_40 = %scan3A_20 to %scan3A_22 step %scan3A_23 iter_args(%scan3A_41 = %scan3A) -> (i32)  : i32 {
      %and3A = arith.constant 1 : i32
      %and3A_42 = arith.andi %scan3A_40, %and3A : i32
      %dma_wait3A = arith.constant 0 : i32
      %dma_wait3A_43 = arith.constant 0 : i32
      %dma_wait3A_44 = arith.constant 0 : i32
      %dma_wait3A_45 = arith.constant 0 : i32
      %dma_wait3A_46 = tpu.memref_slice %arg5[%dma_wait3A, %dma_wait3A_43, %dma_wait3A_44, %dma_wait3A_45] : memref<2x4x20x32xi32, #tpu.memory_space<vmem>> -> memref<1x4x20x32xi32, #tpu.memory_space<vmem>>
      %dma_wait3A_47 = tpu.memref_squeeze %dma_wait3A_46 : memref<1x4x20x32xi32, #tpu.memory_space<vmem>> -> memref<4x20x32xi32, #tpu.memory_space<vmem>>
      %dma_wait3A_48 = arith.constant 0 : i32
      %dma_wait3A_49 = arith.constant 0 : i32
      %dma_wait3A_50 = arith.constant 0 : i32
      %dma_wait3A_51 = tpu.memref_slice %arg3[%dma_wait3A_48, %dma_wait3A_49, %dma_wait3A_50] : memref<50x20x1024xi32, #tpu.memory_space<hbm>> -> memref<4x20x32xi32, #tpu.memory_space<hbm>>
      %dma_wait3A_52 = arith.constant 0 : i32
      %dma_wait3A_53 = arith.constant 0 : i32
      %dma_wait3A_54 = arith.constant 0 : i32
      %dma_wait3A_55 = tpu.memref_slice %arg5[%dma_wait3A, %dma_wait3A_52, %dma_wait3A_53, %dma_wait3A_54] : memref<2x4x20x32xi32, #tpu.memory_space<vmem>> -> memref<1x4x20x32xi32, #tpu.memory_space<vmem>>
      %dma_wait3A_56 = tpu.memref_squeeze %dma_wait3A_55 : memref<1x4x20x32xi32, #tpu.memory_space<vmem>> -> memref<4x20x32xi32, #tpu.memory_space<vmem>>
      %dma_wait3A_57 = arith.constant 0 : i32
      %dma_wait3A_58 = arith.constant 0 : i32
      %dma_wait3A_59 = arith.constant 0 : i32
      %dma_wait3A_60 = tpu.memref_slice %arg3[%dma_wait3A_57, %dma_wait3A_58, %dma_wait3A_59] : memref<50x20x1024xi32, #tpu.memory_space<hbm>> -> memref<4x20x32xi32, #tpu.memory_space<hbm>>
      tpu.wait_dma2 semaphore(%arg10 : memref<!tpu.dma_semaphore, #tpu.memory_space<semaphore_mem>>) src(%dma_wait3A_60 : memref<4x20x32xi32, #tpu.memory_space<hbm>>) dst(%dma_wait3A_56 : memref<4x20x32xi32, #tpu.memory_space<vmem>>)
      %add3A_61 = arith.constant 1 : i32
      %add3A_62 = arith.addi %scan3A_40, %add3A_61 : i32
      %lt3A = arith.constant 13 : i32
      %lt3A_63 = arith.cmpi slt, %add3A_62, %lt3A : i32
      %convert_element_type3A = arith.extui %lt3A_63 : i1 to i32
      %cond3A = arith.constant 0 : i32
      %cond3A_64 = arith.cmpi ne, %convert_element_type3A, %cond3A : i32
      scf.if %cond3A_64 {
        %add3A_87 = arith.constant 1 : i32
        %add3A_88 = arith.addi %scan3A_40, %add3A_87 : i32
        %add3A_89 = arith.constant 1 : i32
        %add3A_90 = arith.addi %scan3A_40, %add3A_89 : i32
        %and3A_91 = arith.constant 1 : i32
        %and3A_92 = arith.andi %add3A_90, %and3A_91 : i32
        %mul3A_93 = arith.constant 4 : i32
        %mul3A_94 = arith.muli %mul3A_93, %add3A_88 : i32
        %min3A_95 = arith.constant 46 : i32
        %min3A_96 = arith.minsi %mul3A_94, %min3A_95 : i32
        %dma_start3A_97 = arith.constant 0 : i32
        %dma_start3A_98 = arith.constant 0 : i32
        %dma_start3A_99 = arith.constant 0 : i32
        %dma_start3A_100 = tpu.memref_slice %arg5[%and3A_92, %dma_start3A_97, %dma_start3A_98, %dma_start3A_99] : memref<2x4x20x32xi32, #tpu.memory_space<vmem>> -> memref<1x4x20x32xi32, #tpu.memory_space<vmem>>
        %dma_start3A_101 = tpu.memref_squeeze %dma_start3A_100 : memref<1x4x20x32xi32, #tpu.memory_space<vmem>> -> memref<4x20x32xi32, #tpu.memory_space<vmem>>
        %dma_start3A_102 = arith.constant 0 : i32
        %dma_start3A_103 = tpu.memref_slice %arg3[%min3A_96, %dma_start3A_102, %mul3A_2] : memref<50x20x1024xi32, #tpu.memory_space<hbm>> -> memref<4x20x32xi32, #tpu.memory_space<hbm>>
        %dma_start3A_104 = arith.constant 0 : i32
        %dma_start3A_105 = arith.constant 0 : i32
        %dma_start3A_106 = arith.constant 0 : i32
        %dma_start3A_107 = tpu.memref_slice %arg5[%and3A_92, %dma_start3A_104, %dma_start3A_105, %dma_start3A_106] : memref<2x4x20x32xi32, #tpu.memory_space<vmem>> -> memref<1x4x20x32xi32, #tpu.memory_space<vmem>>
        %dma_start3A_108 = tpu.memref_squeeze %dma_start3A_107 : memref<1x4x20x32xi32, #tpu.memory_space<vmem>> -> memref<4x20x32xi32, #tpu.memory_space<vmem>>
        %dma_start3A_109 = arith.constant 0 : i32
        %dma_start3A_110 = tpu.memref_slice %arg3[%min3A_96, %dma_start3A_109, %mul3A_2] : memref<50x20x1024xi32, #tpu.memory_space<hbm>> -> memref<4x20x32xi32, #tpu.memory_space<hbm>>
        tpu.enqueue_dma source(%dma_start3A_110 : memref<4x20x32xi32, #tpu.memory_space<hbm>>) target(%dma_start3A_108 : memref<4x20x32xi32, #tpu.memory_space<vmem>>) target_semaphore(%arg10 : memref<!tpu.dma_semaphore, #tpu.memory_space<semaphore_mem>>)
      } else {
      }
      %scan3A_65 = arith.constant 0 : i32
      %scan3A_66 = arith.constant 0 : i32
      %scan3A_67 = arith.constant 8 : i32
      %scan3A_68 = arith.addi %scan3A_66, %scan3A_67 : i32
      %scan3A_69 = arith.constant 1 : i32
      %scan3A_70 = scf.for %scan3A_87 = %scan3A_66 to %scan3A_68 step %scan3A_69 iter_args(%scan3A_88 = %scan3A_65) -> (i32)  : i32 {
        %shift_right_arithmetic3A = arith.constant 1 : i32
        %shift_right_arithmetic3A_89 = arith.shrsi %scan3A_87, %shift_right_arithmetic3A : i32
        %and3A_90 = arith.constant 1 : i32
        %and3A_91 = arith.andi %scan3A_87, %and3A_90 : i32
        %mul3A_92 = arith.constant 16 : i32
        %mul3A_93 = arith.muli %and3A_91, %mul3A_92 : i32
        %scan3A_94 = arith.constant 0 : i32
        %scan3A_95 = arith.constant 20 : i32
        %scan3A_96 = arith.addi %scan3A_94, %scan3A_95 : i32
        %scan3A_97 = arith.constant 4 : i32
        %scan3A_98 = scf.for %scan3A_109 = %scan3A_94 to %scan3A_96 step %scan3A_97 iter_args(%scan3A_110 = %broadcast_in_dim3A_3) -> (vector<16xf32>)  : i32 {
          %get3A = arith.index_cast %and3A_42 : i32 to index
          %get3A_111 = arith.index_cast %shift_right_arithmetic3A_89 : i32 to index
          %get3A_112 = arith.index_cast %scan3A_109 : i32 to index
          %get3A_113 = arith.index_cast %mul3A_93 : i32 to index
          %get3A_114 = tpu.vector_load %arg5[%get3A, %get3A_111, %get3A_112, %get3A_113] {strides = array<i32>} : memref<2x4x20x32xi32, #tpu.memory_space<vmem>>, vector<16xi32>,
          %and3A_115 = arith.constant 32767 : i32
          %and3A_116 = vector.broadcast %and3A_115 : i32 to vector<16xi32>
          %and3A_117 = arith.andi %get3A_114, %and3A_116 : vector<16xi32>
          %shift_left3A = arith.constant 2 : i32
          %shift_left3A_118 = vector.broadcast %shift_left3A : i32 to vector<16xi32>
          %shift_left3A_119 = arith.shli %and3A_117, %shift_left3A_118 : vector<16xi32>
          %shift_right_arithmetic3A_120 = arith.constant 15 : i32
          %shift_right_arithmetic3A_121 = vector.broadcast %shift_right_arithmetic3A_120 : i32 to vector<16xi32>
          %shift_right_arithmetic3A_122 = arith.shrsi %get3A_114, %shift_right_arithmetic3A_121 : vector<16xi32>
          %and3A_123 = arith.constant 3 : i32
          %and3A_124 = vector.broadcast %and3A_123 : i32 to vector<16xi32>
          %and3A_125 = arith.andi %shift_right_arithmetic3A_122, %and3A_124 : vector<16xi32>
          %or3A = arith.ori %shift_left3A_119, %and3A_125 : vector<16xi32>
          %mul3A_126 = arith.constant 16 : i32
          %mul3A_127 = arith.muli %scan3A_87, %mul3A_126 : i32
          %swap3A_128 = arith.index_cast %scan3A_40 : i32 to index
          %swap3A_129 = arith.index_cast %scan3A_109 : i32 to index
          %swap3A_130 = arith.index_cast %mul3A_127 : i32 to index
          %swap3A_131 = tpu.vector_load %arg6[%swap3A_128, %swap3A_129, %swap3A_130] {strides = array<i32>} : memref<13x20x128xi32, #tpu.memory_space<vmem>>, vector<16xi32>,
          tpu.vector_store %arg6[%swap3A_128, %swap3A_129, %swap3A_130], %or3A {strides = array<i32>} : memref<13x20x128xi32, #tpu.memory_space<vmem>>, vector<16xi32>,
          %lt3A_132 = arith.constant 100000 : i32
          %lt3A_133 = vector.broadcast %lt3A_132 : i32 to vector<16xi32>
          %lt3A_134 = arith.cmpi slt, %get3A_114, %lt3A_133 : vector<16xi32>
          %jit3A = arith.constant 1.000000e+00 : f32
          %jit3A_135 = arith.constant 0.000000e+00 : f32
          %broadcast_in_dim3A_136 = vector.broadcast %jit3A : f32 to vector<16xf32>
          %broadcast_in_dim3A_137 = vector.broadcast %jit3A_135 : f32 to vector<16xf32>
          %select_n3A = arith.select %lt3A_134, %broadcast_in_dim3A_136, %broadcast_in_dim3A_137 : vector<16xi1>, vector<16xf32>
          %add3A_138 = arith.addf %scan3A_110, %select_n3A : vector<16xf32>
          %scan3A_139 = arith.constant 1 : i32
          %scan3A_140 = arith.addi %scan3A_109, %scan3A_139 : i32
          %get3A_141 = arith.index_cast %and3A_42 : i32 to index
          %get3A_142 = arith.index_cast %shift_right_arithmetic3A_89 : i32 to index
          %get3A_143 = arith.index_cast %scan3A_140 : i32 to index
          %get3A_144 = arith.index_cast %mul3A_93 : i32 to index
          %get3A_145 = tpu.vector_load %arg5[%get3A_141, %get3A_142, %get3A_143, %get3A_144] {strides = array<i32>} : memref<2x4x20x32xi32, #tpu.memory_space<vmem>>, vector<16xi32>,
          %and3A_146 = arith.constant 32767 : i32
          %and3A_147 = vector.broadcast %and3A_146 : i32 to vector<16xi32>
          %and3A_148 = arith.andi %get3A_145, %and3A_147 : vector<16xi32>
          %shift_left3A_149 = arith.constant 2 : i32
          %shift_left3A_150 = vector.broadcast %shift_left3A_149 : i32 to vector<16xi32>
          %shift_left3A_151 = arith.shli %and3A_148, %shift_left3A_150 : vector<16xi32>
          %shift_right_arithmetic3A_152 = arith.constant 15 : i32
          %shift_right_arithmetic3A_153 = vector.broadcast %shift_right_arithmetic3A_152 : i32 to vector<16xi32>
          %shift_right_arithmetic3A_154 = arith.shrsi %get3A_145, %shift_right_arithmetic3A_153 : vector<16xi32>
          %and3A_155 = arith.constant 3 : i32
          %and3A_156 = vector.broadcast %and3A_155 : i32 to vector<16xi32>
          %and3A_157 = arith.andi %shift_right_arithmetic3A_154, %and3A_156 : vector<16xi32>
          %or3A_158 = arith.ori %shift_left3A_151, %and3A_157 : vector<16xi32>
          %mul3A_159 = arith.constant 16 : i32
          %mul3A_160 = arith.muli %scan3A_87, %mul3A_159 : i32
          %swap3A_161 = arith.index_cast %scan3A_40 : i32 to index
          %swap3A_162 = arith.index_cast %scan3A_140 : i32 to index
          %swap3A_163 = arith.index_cast %mul3A_160 : i32 to index
          %swap3A_164 = tpu.vector_load %arg6[%swap3A_161, %swap3A_162, %swap3A_163] {strides = array<i32>} : memref<13x20x128xi32, #tpu.memory_space<vmem>>, vector<16xi32>,
          tpu.vector_store %arg6[%swap3A_161, %swap3A_162, %swap3A_163], %or3A_158 {strides = array<i32>} : memref<13x20x128xi32, #tpu.memory_space<vmem>>, vector<16xi32>,
          %lt3A_165 = arith.constant 100000 : i32
          %lt3A_166 = vector.broadcast %lt3A_165 : i32 to vector<16xi32>
          %lt3A_167 = arith.cmpi slt, %get3A_145, %lt3A_166 : vector<16xi32>
          %jit3A_168 = arith.constant 1.000000e+00 : f32
          %jit3A_169 = arith.constant 0.000000e+00 : f32
          %broadcast_in_dim3A_170 = vector.broadcast %jit3A_168 : f32 to vector<16xf32>
          %broadcast_in_dim3A_171 = vector.broadcast %jit3A_169 : f32 to vector<16xf32>
          %select_n3A_172 = arith.select %lt3A_167, %broadcast_in_dim3A_170, %broadcast_in_dim3A_171 : vector<16xi1>, vector<16xf32>
          %add3A_173 = arith.addf %add3A_138, %select_n3A_172 : vector<16xf32>
          %scan3A_174 = arith.constant 2 : i32
          %scan3A_175 = arith.addi %scan3A_109, %scan3A_174 : i32
          %get3A_176 = arith.index_cast %and3A_42 : i32 to index
          %get3A_177 = arith.index_cast %shift_right_arithmetic3A_89 : i32 to index
          %get3A_178 = arith.index_cast %scan3A_175 : i32 to index
          %get3A_179 = arith.index_cast %mul3A_93 : i32 to index
          %get3A_180 = tpu.vector_load %arg5[%get3A_176, %get3A_177, %get3A_178, %get3A_179] {strides = array<i32>} : memref<2x4x20x32xi32, #tpu.memory_space<vmem>>, vector<16xi32>,
          %and3A_181 = arith.constant 32767 : i32
          %and3A_182 = vector.broadcast %and3A_181 : i32 to vector<16xi32>
          %and3A_183 = arith.andi %get3A_180, %and3A_182 : vector<16xi32>
          %shift_left3A_184 = arith.constant 2 : i32
          %shift_left3A_185 = vector.broadcast %shift_left3A_184 : i32 to vector<16xi32>
          %shift_left3A_186 = arith.shli %and3A_183, %shift_left3A_185 : vector<16xi32>
          %shift_right_arithmetic3A_187 = arith.constant 15 : i32
          %shift_right_arithmetic3A_188 = vector.broadcast %shift_right_arithmetic3A_187 : i32 to vector<16xi32>
          %shift_right_arithmetic3A_189 = arith.shrsi %get3A_180, %shift_right_arithmetic3A_188 : vector<16xi32>
          %and3A_190 = arith.constant 3 : i32
          %and3A_191 = vector.broadcast %and3A_190 : i32 to vector<16xi32>
          %and3A_192 = arith.andi %shift_right_arithmetic3A_189, %and3A_191 : vector<16xi32>
          %or3A_193 = arith.ori %shift_left3A_186, %and3A_192 : vector<16xi32>
          %mul3A_194 = arith.constant 16 : i32
          %mul3A_195 = arith.muli %scan3A_87, %mul3A_194 : i32
          %swap3A_196 = arith.index_cast %scan3A_40 : i32 to index
          %swap3A_197 = arith.index_cast %scan3A_175 : i32 to index
          %swap3A_198 = arith.index_cast %mul3A_195 : i32 to index
          %swap3A_199 = tpu.vector_load %arg6[%swap3A_196, %swap3A_197, %swap3A_198] {strides = array<i32>} : memref<13x20x128xi32, #tpu.memory_space<vmem>>, vector<16xi32>,
          tpu.vector_store %arg6[%swap3A_196, %swap3A_197, %swap3A_198], %or3A_193 {strides = array<i32>} : memref<13x20x128xi32, #tpu.memory_space<vmem>>, vector<16xi32>,
          %lt3A_200 = arith.constant 100000 : i32
          %lt3A_201 = vector.broadcast %lt3A_200 : i32 to vector<16xi32>
          %lt3A_202 = arith.cmpi slt, %get3A_180, %lt3A_201 : vector<16xi32>
          %jit3A_203 = arith.constant 1.000000e+00 : f32
          %jit3A_204 = arith.constant 0.000000e+00 : f32
          %broadcast_in_dim3A_205 = vector.broadcast %jit3A_203 : f32 to vector<16xf32>
          %broadcast_in_dim3A_206 = vector.broadcast %jit3A_204 : f32 to vector<16xf32>
          %select_n3A_207 = arith.select %lt3A_202, %broadcast_in_dim3A_205, %broadcast_in_dim3A_206 : vector<16xi1>, vector<16xf32>
          %add3A_208 = arith.addf %add3A_173, %select_n3A_207 : vector<16xf32>
          %scan3A_209 = arith.constant 3 : i32
          %scan3A_210 = arith.addi %scan3A_109, %scan3A_209 : i32
          %get3A_211 = arith.index_cast %and3A_42 : i32 to index
          %get3A_212 = arith.index_cast %shift_right_arithmetic3A_89 : i32 to index
          %get3A_213 = arith.index_cast %scan3A_210 : i32 to index
          %get3A_214 = arith.index_cast %mul3A_93 : i32 to index
          %get3A_215 = tpu.vector_load %arg5[%get3A_211, %get3A_212, %get3A_213, %get3A_214] {strides = array<i32>} : memref<2x4x20x32xi32, #tpu.memory_space<vmem>>, vector<16xi32>,
          %and3A_216 = arith.constant 32767 : i32
          %and3A_217 = vector.broadcast %and3A_216 : i32 to vector<16xi32>
          %and3A_218 = arith.andi %get3A_215, %and3A_217 : vector<16xi32>
          %shift_left3A_219 = arith.constant 2 : i32
          %shift_left3A_220 = vector.broadcast %shift_left3A_219 : i32 to vector<16xi32>
          %shift_left3A_221 = arith.shli %and3A_218, %shift_left3A_220 : vector<16xi32>
          %shift_right_arithmetic3A_222 = arith.constant 15 : i32
          %shift_right_arithmetic3A_223 = vector.broadcast %shift_right_arithmetic3A_222 : i32 to vector<16xi32>
          %shift_right_arithmetic3A_224 = arith.shrsi %get3A_215, %shift_right_arithmetic3A_223 : vector<16xi32>
          %and3A_225 = arith.constant 3 : i32
          %and3A_226 = vector.broadcast %and3A_225 : i32 to vector<16xi32>
          %and3A_227 = arith.andi %shift_right_arithmetic3A_224, %and3A_226 : vector<16xi32>
          %or3A_228 = arith.ori %shift_left3A_221, %and3A_227 : vector<16xi32>
          %mul3A_229 = arith.constant 16 : i32
          %mul3A_230 = arith.muli %scan3A_87, %mul3A_229 : i32
          %swap3A_231 = arith.index_cast %scan3A_40 : i32 to index
          %swap3A_232 = arith.index_cast %scan3A_210 : i32 to index
          %swap3A_233 = arith.index_cast %mul3A_230 : i32 to index
          %swap3A_234 = tpu.vector_load %arg6[%swap3A_231, %swap3A_232, %swap3A_233] {strides = array<i32>} : memref<13x20x128xi32, #tpu.memory_space<vmem>>, vector<16xi32>,
          tpu.vector_store %arg6[%swap3A_231, %swap3A_232, %swap3A_233], %or3A_228 {strides = array<i32>} : memref<13x20x128xi32, #tpu.memory_space<vmem>>, vector<16xi32>,
          %lt3A_235 = arith.constant 100000 : i32
          %lt3A_236 = vector.broadcast %lt3A_235 : i32 to vector<16xi32>
          %lt3A_237 = arith.cmpi slt, %get3A_215, %lt3A_236 : vector<16xi32>
          %jit3A_238 = arith.constant 1.000000e+00 : f32
          %jit3A_239 = arith.constant 0.000000e+00 : f32
          %broadcast_in_dim3A_240 = vector.broadcast %jit3A_238 : f32 to vector<16xf32>
          %broadcast_in_dim3A_241 = vector.broadcast %jit3A_239 : f32 to vector<16xf32>
          %select_n3A_242 = arith.select %lt3A_237, %broadcast_in_dim3A_240, %broadcast_in_dim3A_241 : vector<16xi1>, vector<16xf32>
          %add3A_243 = arith.addf %add3A_208, %select_n3A_242 : vector<16xf32>
          scf.yield %add3A_243 : vector<16xf32>
        }
        %scan3A_99 = arith.constant 20 : i32
        %max3A = arith.constant 1.000000e+00 : f32
        %max3A_100 = vector.broadcast %max3A : f32 to vector<16xf32>
        %max3A_101 = arith.maximumf %scan3A_98, %max3A_100 : vector<16xf32>
        %div3A = arith.constant 1.000000e+00 : f32
        %div3A_102 = vector.broadcast %div3A : f32 to vector<16xf32>
        %div3A_103 = arith.divf %div3A_102, %max3A_101 : vector<16xf32>
        %mul3A_104 = arith.constant 16 : i32
        %mul3A_105 = arith.muli %scan3A_87, %mul3A_104 : i32
        %swap3A = arith.index_cast %scan3A_40 : i32 to index
        %swap3A_106 = arith.index_cast %mul3A_105 : i32 to index
        %swap3A_107 = tpu.vector_load %arg8[%swap3A, %swap3A_106] {strides = array<i32>} : memref<13x128xf32, #tpu.memory_space<vmem>>, vector<16xf32>,
        tpu.vector_store %arg8[%swap3A, %swap3A_106], %div3A_103 {strides = array<i32>} : memref<13x128xf32, #tpu.memory_space<vmem>>, vector<16xf32>,
        %scan3A_108 = arith.constant 0 : i32
        scf.yield %scan3A_108 : i32
      }
      %scan3A_71 = arith.constant 8 : i32
      %scan3A_72 = arith.constant 0 : i32
      %scan3A_73 = arith.constant 0 : i32
      %scan3A_74 = arith.constant 128 : i32
      %scan3A_75 = arith.addi %scan3A_73, %scan3A_74 : i32
      %scan3A_76 = arith.constant 8 : i32
      %scan3A_77 = scf.for %scan3A_87 = %scan3A_73 to %scan3A_75 step %scan3A_76 iter_args(%scan3A_88 = %scan3A_72) -> (i32)  : i32 {
        %swap3A = arith.index_cast %scan3A_40 : i32 to index
        %swap3A_89 = arith.index_cast %scan3A_87 : i32 to index
        %swap3A_90 = arith.constant 0 : index
        %swap3A_91 = tpu.vector_load %arg7[%swap3A, %swap3A_89, %swap3A_90] {strides = array<i32>} : memref<13x128x32xf32, #tpu.memory_space<vmem>>, vector<16xf32>,
        tpu.vector_store %arg7[%swap3A, %swap3A_89, %swap3A_90], %broadcast_in_dim3A_3 {strides = array<i32>} : memref<13x128x32xf32, #tpu.memory_space<vmem>>, vector<16xf32>,
        %swap3A_92 = arith.index_cast %scan3A_40 : i32 to index
        %swap3A_93 = arith.index_cast %scan3A_87 : i32 to index
        %swap3A_94 = arith.constant 16 : index
        %swap3A_95 = tpu.vector_load %arg7[%swap3A_92, %swap3A_93, %swap3A_94] {strides = array<i32>} : memref<13x128x32xf32, #tpu.memory_space<vmem>>, vector<16xf32>,
        tpu.vector_store %arg7[%swap3A_92, %swap3A_93, %swap3A_94], %broadcast_in_dim3A_3 {strides = array<i32>} : memref<13x128x32xf32, #tpu.memory_space<vmem>>, vector<16xf32>,
        %scan3A_96 = arith.constant 0 : i32
        %scan3A_97 = arith.constant 1 : i32
        %scan3A_98 = arith.addi %scan3A_87, %scan3A_97 : i32
        %swap3A_99 = arith.index_cast %scan3A_40 : i32 to index
        %swap3A_100 = arith.index_cast %scan3A_98 : i32 to index
        %swap3A_101 = arith.constant 0 : index
        %swap3A_102 = tpu.vector_load %arg7[%swap3A_99, %swap3A_100, %swap3A_101] {strides = array<i32>} : memref<13x128x32xf32, #tpu.memory_space<vmem>>, vector<16xf32>,
        tpu.vector_store %arg7[%swap3A_99, %swap3A_100, %swap3A_101], %broadcast_in_dim3A_3 {strides = array<i32>} : memref<13x128x32xf32, #tpu.memory_space<vmem>>, vector<16xf32>,
        %swap3A_103 = arith.index_cast %scan3A_40 : i32 to index
        %swap3A_104 = arith.index_cast %scan3A_98 : i32 to index
        %swap3A_105 = arith.constant 16 : index
        %swap3A_106 = tpu.vector_load %arg7[%swap3A_103, %swap3A_104, %swap3A_105] {strides = array<i32>} : memref<13x128x32xf32, #tpu.memory_space<vmem>>, vector<16xf32>,
        tpu.vector_store %arg7[%swap3A_103, %swap3A_104, %swap3A_105], %broadcast_in_dim3A_3 {strides = array<i32>} : memref<13x128x32xf32, #tpu.memory_space<vmem>>, vector<16xf32>,
        %scan3A_107 = arith.constant 0 : i32
        %scan3A_108 = arith.constant 2 : i32
        %scan3A_109 = arith.addi %scan3A_87, %scan3A_108 : i32
        %swap3A_110 = arith.index_cast %scan3A_40 : i32 to index
        %swap3A_111 = arith.index_cast %scan3A_109 : i32 to index
        %swap3A_112 = arith.constant 0 : index
        %swap3A_113 = tpu.vector_load %arg7[%swap3A_110, %swap3A_111, %swap3A_112] {strides = array<i32>} : memref<13x128x32xf32, #tpu.memory_space<vmem>>, vector<16xf32>,
        tpu.vector_store %arg7[%swap3A_110, %swap3A_111, %swap3A_112], %broadcast_in_dim3A_3 {strides = array<i32>} : memref<13x128x32xf32, #tpu.memory_space<vmem>>, vector<16xf32>,
        %swap3A_114 = arith.index_cast %scan3A_40 : i32 to index
        %swap3A_115 = arith.index_cast %scan3A_109 : i32 to index
        %swap3A_116 = arith.constant 16 : index
        %swap3A_117 = tpu.vector_load %arg7[%swap3A_114, %swap3A_115, %swap3A_116] {strides = array<i32>} : memref<13x128x32xf32, #tpu.memory_space<vmem>>, vector<16xf32>,
        tpu.vector_store %arg7[%swap3A_114, %swap3A_115, %swap3A_116], %broadcast_in_dim3A_3 {strides = array<i32>} : memref<13x128x32xf32, #tpu.memory_space<vmem>>, vector<16xf32>,
        %scan3A_118 = arith.constant 0 : i32
        %scan3A_119 = arith.constant 3 : i32
        %scan3A_120 = arith.addi %scan3A_87, %scan3A_119 : i32
        %swap3A_121 = arith.index_cast %scan3A_40 : i32 to index
        %swap3A_122 = arith.index_cast %scan3A_120 : i32 to index
        %swap3A_123 = arith.constant 0 : index
        %swap3A_124 = tpu.vector_load %arg7[%swap3A_121, %swap3A_122, %swap3A_123] {strides = array<i32>} : memref<13x128x32xf32, #tpu.memory_space<vmem>>, vector<16xf32>,
        tpu.vector_store %arg7[%swap3A_121, %swap3A_122, %swap3A_123], %broadcast_in_dim3A_3 {strides = array<i32>} : memref<13x128x32xf32, #tpu.memory_space<vmem>>, vector<16xf32>,
        %swap3A_125 = arith.index_cast %scan3A_40 : i32 to index
        %swap3A_126 = arith.index_cast %scan3A_120 : i32 to index
        %swap3A_127 = arith.constant 16 : index
        %swap3A_128 = tpu.vector_load %arg7[%swap3A_125, %swap3A_126, %swap3A_127] {strides = array<i32>} : memref<13x128x32xf32, #tpu.memory_space<vmem>>, vector<16xf32>,
        tpu.vector_store %arg7[%swap3A_125, %swap3A_126, %swap3A_127], %broadcast_in_dim3A_3 {strides = array<i32>} : memref<13x128x32xf32, #tpu.memory_space<vmem>>, vector<16xf32>,
        %scan3A_129 = arith.constant 0 : i32
        %scan3A_130 = arith.constant 4 : i32
        %scan3A_131 = arith.addi %scan3A_87, %scan3A_130 : i32
        %swap3A_132 = arith.index_cast %scan3A_40 : i32 to index
        %swap3A_133 = arith.index_cast %scan3A_131 : i32 to index
        %swap3A_134 = arith.constant 0 : index
        %swap3A_135 = tpu.vector_load %arg7[%swap3A_132, %swap3A_133, %swap3A_134] {strides = array<i32>} : memref<13x128x32xf32, #tpu.memory_space<vmem>>, vector<16xf32>,
        tpu.vector_store %arg7[%swap3A_132, %swap3A_133, %swap3A_134], %broadcast_in_dim3A_3 {strides = array<i32>} : memref<13x128x32xf32, #tpu.memory_space<vmem>>, vector<16xf32>,
        %swap3A_136 = arith.index_cast %scan3A_40 : i32 to index
        %swap3A_137 = arith.index_cast %scan3A_131 : i32 to index
        %swap3A_138 = arith.constant 16 : index
        %swap3A_139 = tpu.vector_load %arg7[%swap3A_136, %swap3A_137, %swap3A_138] {strides = array<i32>} : memref<13x128x32xf32, #tpu.memory_space<vmem>>, vector<16xf32>,
        tpu.vector_store %arg7[%swap3A_136, %swap3A_137, %swap3A_138], %broadcast_in_dim3A_3 {strides = array<i32>} : memref<13x128x32xf32, #tpu.memory_space<vmem>>, vector<16xf32>,
        %scan3A_140 = arith.constant 0 : i32
        %scan3A_141 = arith.constant 5 : i32
        %scan3A_142 = arith.addi %scan3A_87, %scan3A_141 : i32
        %swap3A_143 = arith.index_cast %scan3A_40 : i32 to index
        %swap3A_144 = arith.index_cast %scan3A_142 : i32 to index
        %swap3A_145 = arith.constant 0 : index
        %swap3A_146 = tpu.vector_load %arg7[%swap3A_143, %swap3A_144, %swap3A_145] {strides = array<i32>} : memref<13x128x32xf32, #tpu.memory_space<vmem>>, vector<16xf32>,
        tpu.vector_store %arg7[%swap3A_143, %swap3A_144, %swap3A_145], %broadcast_in_dim3A_3 {strides = array<i32>} : memref<13x128x32xf32, #tpu.memory_space<vmem>>, vector<16xf32>,
        %swap3A_147 = arith.index_cast %scan3A_40 : i32 to index
        %swap3A_148 = arith.index_cast %scan3A_142 : i32 to index
        %swap3A_149 = arith.constant 16 : index
        %swap3A_150 = tpu.vector_load %arg7[%swap3A_147, %swap3A_148, %swap3A_149] {strides = array<i32>} : memref<13x128x32xf32, #tpu.memory_space<vmem>>, vector<16xf32>,
        tpu.vector_store %arg7[%swap3A_147, %swap3A_148, %swap3A_149], %broadcast_in_dim3A_3 {strides = array<i32>} : memref<13x128x32xf32, #tpu.memory_space<vmem>>, vector<16xf32>,
        %scan3A_151 = arith.constant 0 : i32
        %scan3A_152 = arith.constant 6 : i32
        %scan3A_153 = arith.addi %scan3A_87, %scan3A_152 : i32
        %swap3A_154 = arith.index_cast %scan3A_40 : i32 to index
        %swap3A_155 = arith.index_cast %scan3A_153 : i32 to index
        %swap3A_156 = arith.constant 0 : index
        %swap3A_157 = tpu.vector_load %arg7[%swap3A_154, %swap3A_155, %swap3A_156] {strides = array<i32>} : memref<13x128x32xf32, #tpu.memory_space<vmem>>, vector<16xf32>,
        tpu.vector_store %arg7[%swap3A_154, %swap3A_155, %swap3A_156], %broadcast_in_dim3A_3 {strides = array<i32>} : memref<13x128x32xf32, #tpu.memory_space<vmem>>, vector<16xf32>,
        %swap3A_158 = arith.index_cast %scan3A_40 : i32 to index
        %swap3A_159 = arith.index_cast %scan3A_153 : i32 to index
        %swap3A_160 = arith.constant 16 : index
        %swap3A_161 = tpu.vector_load %arg7[%swap3A_158, %swap3A_159, %swap3A_160] {strides = array<i32>} : memref<13x128x32xf32, #tpu.memory_space<vmem>>, vector<16xf32>,
        tpu.vector_store %arg7[%swap3A_158, %swap3A_159, %swap3A_160], %broadcast_in_dim3A_3 {strides = array<i32>} : memref<13x128x32xf32, #tpu.memory_space<vmem>>, vector<16xf32>,
        %scan3A_162 = arith.constant 0 : i32
        %scan3A_163 = arith.constant 7 : i32
        %scan3A_164 = arith.addi %scan3A_87, %scan3A_163 : i32
        %swap3A_165 = arith.index_cast %scan3A_40 : i32 to index
        %swap3A_166 = arith.index_cast %scan3A_164 : i32 to index
        %swap3A_167 = arith.constant 0 : index
        %swap3A_168 = tpu.vector_load %arg7[%swap3A_165, %swap3A_166, %swap3A_167] {strides = array<i32>} : memref<13x128x32xf32, #tpu.memory_space<vmem>>, vector<16xf32>,
        tpu.vector_store %arg7[%swap3A_165, %swap3A_166, %swap3A_167], %broadcast_in_dim3A_3 {strides = array<i32>} : memref<13x128x32xf32, #tpu.memory_space<vmem>>, vector<16xf32>,
        %swap3A_169 = arith.index_cast %scan3A_40 : i32 to index
        %swap3A_170 = arith.index_cast %scan3A_164 : i32 to index
        %swap3A_171 = arith.constant 16 : index
        %swap3A_172 = tpu.vector_load %arg7[%swap3A_169, %swap3A_170, %swap3A_171] {strides = array<i32>} : memref<13x128x32xf32, #tpu.memory_space<vmem>>, vector<16xf32>,
        tpu.vector_store %arg7[%swap3A_169, %swap3A_170, %swap3A_171], %broadcast_in_dim3A_3 {strides = array<i32>} : memref<13x128x32xf32, #tpu.memory_space<vmem>>, vector<16xf32>,
        %scan3A_173 = arith.constant 0 : i32
        scf.yield %scan3A_173 : i32
      }
      %scan3A_78 = arith.constant 128 : i32
      %scan3A_79 = arith.constant 0 : i32
      %scan3A_80 = arith.constant 0 : i32
      %scan3A_81 = arith.constant 20 : i32
      %scan3A_82 = arith.addi %scan3A_80, %scan3A_81 : i32
      %scan3A_83 = arith.constant 1 : i32
      %scan3A_84 = scf.for %scan3A_87 = %scan3A_80 to %scan3A_82 step %scan3A_83 iter_args(%scan3A_88 = %scan3A_79) -> (i32)  : i32 {
        %dma_start3A_89 = arith.constant 0 : i32
        %dma_start3A_90 = arith.constant 0 : i32
        %dma_start3A_91 = tpu.memref_slice %arg7[%scan3A_40, %dma_start3A_89, %dma_start3A_90] : memref<13x128x32xf32, #tpu.memory_space<vmem>> -> memref<1x128x32xf32, #tpu.memory_space<vmem>>
        %dma_start3A_92 = tpu.memref_squeeze %dma_start3A_91 : memref<1x128x32xf32, #tpu.memory_space<vmem>> -> memref<128x32xf32, #tpu.memory_space<vmem>>
        %dma_start3A_93 = arith.constant 0 : i32
        %dma_start3A_94 = tpu.memref_slice %arg6[%scan3A_40, %scan3A_87, %dma_start3A_93] : memref<13x20x128xi32, #tpu.memory_space<vmem>> -> memref<1x1x128xi32, #tpu.memory_space<vmem>>
        %dma_start3A_95 = tpu.memref_squeeze %dma_start3A_94 : memref<1x1x128xi32, #tpu.memory_space<vmem>> -> memref<128xi32, #tpu.memory_space<vmem>>
        %dma_start3A_96 = arith.constant 0 : i32
        %dma_start3A_97 = arith.constant 0 : i32
        %dma_start3A_98 = tpu.memref_slice %arg2[%dma_start3A_96, %dma_start3A_97] : memref<131072x32xf32, #tpu.memory_space<hbm>> -> memref<131072x32xf32, #tpu.memory_space<hbm>>
        %dma_start3A_99 = tpu.memref_slice %arg11[%scan3A_40] : memref<13x!tpu.dma_semaphore, #tpu.memory_space<semaphore_mem>> -> memref<1x!tpu.dma_semaphore, #tpu.memory_space<semaphore_mem>>
        %dma_start3A_100 = tpu.memref_squeeze %dma_start3A_99 : memref<1x!tpu.dma_semaphore, #tpu.memory_space<semaphore_mem>> -> memref<!tpu.dma_semaphore, #tpu.memory_space<semaphore_mem>>
        tpu.enqueue_indirect_dma source(%dma_start3A_98 : memref<131072x32xf32, #tpu.memory_space<hbm>>) target(%dma_start3A_92 : memref<128x32xf32, #tpu.memory_space<vmem>>) offsets(%dma_start3A_95 : memref<128xi32, #tpu.memory_space<vmem>>) semaphore(%dma_start3A_100 : memref<!tpu.dma_semaphore, #tpu.memory_space<semaphore_mem>>) {add = true}
        %scan3A_101 = arith.constant 0 : i32
        scf.yield %scan3A_101 : i32
      }
      %scan3A_85 = arith.constant 20 : i32
      %scan3A_86 = arith.constant 0 : i32
      scf.yield %scan3A_86 : i32
    }
    %scan3A_25 = arith.constant 13 : i32
    %scan3A_26 = arith.constant 0 : i32
    %scan3A_27 = arith.constant 0 : i32
    %scan3A_28 = arith.constant 13 : i32
    %scan3A_29 = arith.addi %scan3A_27, %scan3A_28 : i32
    %scan3A_30 = arith.constant 1 : i32
    %scan3A_31 = scf.for %scan3A_40 = %scan3A_27 to %scan3A_29 step %scan3A_30 iter_args(%scan3A_41 = %scan3A_26) -> (i32)  : i32 {
      %scan3A_42 = arith.constant 0 : i32
      %scan3A_43 = arith.constant 0 : i32
      %scan3A_44 = arith.constant 20 : i32
      %scan3A_45 = arith.addi %scan3A_43, %scan3A_44 : i32
      %scan3A_46 = arith.constant 1 : i32
      %scan3A_47 = scf.for %scan3A_57 = %scan3A_43 to %scan3A_45 step %scan3A_46 iter_args(%scan3A_58 = %scan3A_42) -> (i32)  : i32 {
        %dma_wait3A = arith.constant 0 : i32
        %dma_wait3A_59 = arith.constant 0 : i32
        %dma_wait3A_60 = arith.constant 0 : i32
        %dma_wait3A_61 = arith.constant 0 : i32
        %dma_wait3A_62 = arith.constant 0 : i32
        %dma_wait3A_63 = tpu.memref_slice %arg7[%dma_wait3A_60, %dma_wait3A_61, %dma_wait3A_62] : memref<13x128x32xf32, #tpu.memory_space<vmem>> -> memref<1x128x32xf32, #tpu.memory_space<vmem>>
        %dma_wait3A_64 = tpu.memref_squeeze %dma_wait3A_63 : memref<1x128x32xf32, #tpu.memory_space<vmem>> -> memref<128x32xf32, #tpu.memory_space<vmem>>
        %dma_wait3A_65 = arith.constant 0 : i32
        %dma_wait3A_66 = tpu.memref_slice %arg6[%dma_wait3A, %dma_wait3A_59, %dma_wait3A_65] : memref<13x20x128xi32, #tpu.memory_space<vmem>> -> memref<1x1x128xi32, #tpu.memory_space<vmem>>
        %dma_wait3A_67 = tpu.memref_squeeze %dma_wait3A_66 : memref<1x1x128xi32, #tpu.memory_space<vmem>> -> memref<128xi32, #tpu.memory_space<vmem>>
        %dma_wait3A_68 = arith.constant 0 : i32
        %dma_wait3A_69 = arith.constant 0 : i32
        %dma_wait3A_70 = tpu.memref_slice %arg2[%dma_wait3A_68, %dma_wait3A_69] : memref<131072x32xf32, #tpu.memory_space<hbm>> -> memref<131072x32xf32, #tpu.memory_space<hbm>>
        %dma_wait3A_71 = tpu.memref_slice %arg11[%scan3A_40] : memref<13x!tpu.dma_semaphore, #tpu.memory_space<semaphore_mem>> -> memref<1x!tpu.dma_semaphore, #tpu.memory_space<semaphore_mem>>
        %dma_wait3A_72 = tpu.memref_squeeze %dma_wait3A_71 : memref<1x!tpu.dma_semaphore, #tpu.memory_space<semaphore_mem>> -> memref<!tpu.dma_semaphore, #tpu.memory_space<semaphore_mem>>
        tpu.wait_indirect_dma semaphore(%dma_wait3A_72 : memref<!tpu.dma_semaphore, #tpu.memory_space<semaphore_mem>>) src(%dma_wait3A_70 : memref<131072x32xf32, #tpu.memory_space<hbm>>) dst(%dma_wait3A_64 : memref<128x32xf32, #tpu.memory_space<vmem>>)
        %scan3A_73 = arith.constant 0 : i32
        scf.yield %scan3A_73 : i32
      }
      %scan3A_48 = arith.constant 20 : i32
      %scan3A_49 = arith.constant 0 : i32
      %scan3A_50 = arith.constant 0 : i32
      %scan3A_51 = arith.constant 4 : i32
      %scan3A_52 = arith.addi %scan3A_50, %scan3A_51 : i32
      %scan3A_53 = arith.constant 1 : i32
      %scan3A_54 = scf.for %scan3A_57 = %scan3A_50 to %scan3A_52 step %scan3A_53 iter_args(%scan3A_58 = %scan3A_49) -> (i32)  : i32 {
        %mul3A_59 = arith.constant 4 : i32
        %mul3A_60 = arith.muli %scan3A_40, %mul3A_59 : i32
        %add3A_61 = arith.addi %mul3A_60, %scan3A_57 : i32
        %lt3A = arith.constant 50 : i32
        %lt3A_62 = arith.cmpi slt, %add3A_61, %lt3A : i32
        %convert_element_type3A = arith.extui %lt3A_62 : i1 to i32
        %cond3A = arith.constant 0 : i32
        %cond3A_63 = arith.cmpi ne, %convert_element_type3A, %cond3A : i32
        scf.if %cond3A_63 {
          %and3A = arith.constant 3 : i32
          %and3A_65 = arith.andi %add3A_61, %and3A : i32
          %ge3A = arith.constant 4 : i32
          %ge3A_66 = arith.cmpi sge, %add3A_61, %ge3A : i32
          %convert_element_type3A_67 = arith.extui %ge3A_66 : i1 to i32
          %cond3A_68 = arith.constant 0 : i32
          %cond3A_69 = arith.cmpi ne, %convert_element_type3A_67, %cond3A_68 : i32
          scf.if %cond3A_69 {
            %dma_wait3A = arith.constant 0 : i32
            %dma_wait3A_112 = arith.constant 0 : i32
            %dma_wait3A_113 = arith.constant 0 : i32
            %dma_wait3A_114 = arith.constant 0 : i32
            %dma_wait3A_115 = tpu.memref_slice %arg9[%dma_wait3A, %dma_wait3A_113, %dma_wait3A_114] : memref<4x32x33xf32, #tpu.memory_space<vmem>> -> memref<1x32x32xf32, #tpu.memory_space<vmem>>
            %dma_wait3A_116 = tpu.memref_squeeze %dma_wait3A_115 : memref<1x32x32xf32, #tpu.memory_space<vmem>> -> memref<32x32xf32, #tpu.memory_space<vmem>>
            %dma_wait3A_117 = arith.constant 0 : i32
            %dma_wait3A_118 = arith.constant 0 : i32
            %dma_wait3A_119 = tpu.memref_slice %arg4[%dma_wait3A_112, %dma_wait3A_117, %dma_wait3A_118] : memref<50x32x1024xf32, #tpu.memory_space<hbm>> -> memref<1x32x32xf32, #tpu.memory_space<hbm>>
            %dma_wait3A_120 = tpu.memref_squeeze %dma_wait3A_119 : memref<1x32x32xf32, #tpu.memory_space<hbm>> -> memref<32x32xf32, #tpu.memory_space<hbm>>
            %dma_wait3A_121 = arith.constant 0 : i32
            %dma_wait3A_122 = arith.constant 0 : i32
            %dma_wait3A_123 = tpu.memref_slice %arg4[%dma_wait3A_112, %dma_wait3A_121, %dma_wait3A_122] : memref<50x32x1024xf32, #tpu.memory_space<hbm>> -> memref<1x32x32xf32, #tpu.memory_space<hbm>>
            %dma_wait3A_124 = tpu.memref_squeeze %dma_wait3A_123 : memref<1x32x32xf32, #tpu.memory_space<hbm>> -> memref<32x32xf32, #tpu.memory_space<hbm>>
            %dma_wait3A_125 = arith.constant 0 : i32
            %dma_wait3A_126 = arith.constant 0 : i32
            %dma_wait3A_127 = tpu.memref_slice %arg9[%dma_wait3A, %dma_wait3A_125, %dma_wait3A_126] : memref<4x32x33xf32, #tpu.memory_space<vmem>> -> memref<1x32x32xf32, #tpu.memory_space<vmem>>
            %dma_wait3A_128 = tpu.memref_squeeze %dma_wait3A_127 : memref<1x32x32xf32, #tpu.memory_space<vmem>> -> memref<32x32xf32, #tpu.memory_space<vmem>>
            tpu.wait_dma2 semaphore(%arg12 : memref<!tpu.dma_semaphore, #tpu.memory_space<semaphore_mem>>) src(%dma_wait3A_128 : memref<32x32xf32, #tpu.memory_space<vmem>>) dst(%dma_wait3A_124 : memref<32x32xf32, #tpu.memory_space<hbm>>)
          } else {
          }
          %and3A_70 = arith.constant 3 : i32
          %and3A_71 = arith.andi %add3A_61, %and3A_70 : i32
          %mul3A_72 = arith.constant 32 : i32
          %mul3A_73 = arith.muli %and3A_71, %mul3A_72 : i32
          %eq3A = arith.constant 12 : i32
          %eq3A_74 = arith.cmpi eq, %scan3A_40, %eq3A : i32
          %jit3A = arith.constant 64 : i32
          %jit3A_75 = arith.constant 0 : i32
          %select_n3A = arith.select %eq3A_74, %jit3A, %jit3A_75 : i32
          %add3A_76 = arith.addi %mul3A_73, %select_n3A : i32
          %get3A = arith.index_cast %scan3A_40 : i32 to index
          %get3A_77 = arith.index_cast %add3A_76 : i32 to index
          %get3A_78 = tpu.vector_load %arg8[%get3A, %get3A_77] {strides = array<i32>} : memref<13x128xf32, #tpu.memory_space<vmem>>, vector<16xf32>,
          %add3A_79 = arith.constant 16 : i32
          %add3A_80 = arith.addi %add3A_76, %add3A_79 : i32
          %get3A_81 = arith.index_cast %scan3A_40 : i32 to index
          %get3A_82 = arith.index_cast %add3A_80 : i32 to index
          %get3A_83 = tpu.vector_load %arg8[%get3A_81, %get3A_82] {strides = array<i32>} : memref<13x128xf32, #tpu.memory_space<vmem>>, vector<16xf32>,
          %scan3A_84 = arith.constant 0 : i32
          %scan3A_85 = arith.constant 0 : i32
          %scan3A_86 = arith.constant 32 : i32
          %scan3A_87 = arith.addi %scan3A_85, %scan3A_86 : i32
          %scan3A_88 = arith.constant 1 : i32
          %scan3A_89 = scf.for %scan3A_112 = %scan3A_85 to %scan3A_87 step %scan3A_88 iter_args(%scan3A_113 = %scan3A_84) -> (i32)  : i32 {
            %add3A_114 = arith.addi %add3A_76, %scan3A_112 : i32
            %broadcast_in_dim3A_115 = vector.broadcast %scan3A_112 : i32 to vector<16xi32>
            %get3A_116 = arith.index_cast %scan3A_40 : i32 to index
            %get3A_117 = arith.index_cast %add3A_114 : i32 to index
            %get3A_118 = arith.constant 0 : index
            %get3A_119 = tpu.vector_load %arg7[%get3A_116, %get3A_117, %get3A_118] {strides = array<i32>} : memref<13x128x32xf32, #tpu.memory_space<vmem>>, vector<16xf32>,
            %scatter3A = arith.constant 0 : i32
            %scatter3A_120 = arith.constant 0 : i32
            %scatter3A_121 = tpu.memref_slice %arg9[%and3A_65, %scatter3A, %scatter3A_120] : memref<4x32x33xf32, #tpu.memory_space<vmem>> -> memref<1x32x33xf32, #tpu.memory_space<vmem>>
            %scatter3A_122 = tpu.memref_squeeze %scatter3A_121 : memref<1x32x33xf32, #tpu.memory_space<vmem>> -> memref<32x33xf32, #tpu.memory_space<vmem>>
            tpu.vector_store_idx %scatter3A_122[%iota3A, %broadcast_in_dim3A_115], %get3A_119 : memref<32x33xf32, #tpu.memory_space<vmem>>[vector<16xi32>, vector<16xi32>], vector<16xf32>,
            %add3A_123 = arith.constant 16 : i32
            %add3A_124 = vector.broadcast %add3A_123 : i32 to vector<16xi32>
            %add3A_125 = arith.addi %iota3A, %add3A_124 : vector<16xi32>
            %get3A_126 = arith.index_cast %scan3A_40 : i32 to index
            %get3A_127 = arith.index_cast %add3A_114 : i32 to index
            %get3A_128 = arith.constant 16 : index
            %get3A_129 = tpu.vector_load %arg7[%get3A_126, %get3A_127, %get3A_128] {strides = array<i32>} : memref<13x128x32xf32, #tpu.memory_space<vmem>>, vector<16xf32>,
            %scatter3A_130 = arith.constant 0 : i32
            %scatter3A_131 = arith.constant 0 : i32
            %scatter3A_132 = tpu.memref_slice %arg9[%and3A_65, %scatter3A_130, %scatter3A_131] : memref<4x32x33xf32, #tpu.memory_space<vmem>> -> memref<1x32x33xf32, #tpu.memory_space<vmem>>
            %scatter3A_133 = tpu.memref_squeeze %scatter3A_132 : memref<1x32x33xf32, #tpu.memory_space<vmem>> -> memref<32x33xf32, #tpu.memory_space<vmem>>
            tpu.vector_store_idx %scatter3A_133[%add3A_125, %broadcast_in_dim3A_115], %get3A_129 : memref<32x33xf32, #tpu.memory_space<vmem>>[vector<16xi32>, vector<16xi32>], vector<16xf32>,
            %scan3A_134 = arith.constant 0 : i32
            scf.yield %scan3A_134 : i32
          }
          %scan3A_90 = arith.constant 32 : i32
          %scan3A_91 = arith.constant 0 : i32
          %scan3A_92 = arith.constant 0 : i32
          %scan3A_93 = arith.constant 32 : i32
          %scan3A_94 = arith.addi %scan3A_92, %scan3A_93 : i32
          %scan3A_95 = arith.constant 4 : i32
          %scan3A_96 = scf.for %scan3A_112 = %scan3A_92 to %scan3A_94 step %scan3A_95 iter_args(%scan3A_113 = %scan3A_91) -> (i32)  : i32 {
            %get3A_114 = arith.index_cast %and3A_65 : i32 to index
            %get3A_115 = arith.index_cast %scan3A_112 : i32 to index
            %get3A_116 = arith.constant 0 : index
            %get3A_117 = tpu.vector_load %arg9[%get3A_114, %get3A_115, %get3A_116] {strides = array<i32>} : memref<4x32x33xf32, #tpu.memory_space<vmem>>, vector<16xf32>,
            %mul3A_118 = arith.mulf %get3A_117, %get3A_78 : vector<16xf32>
            %swap3A = arith.index_cast %and3A_65 : i32 to index
            %swap3A_119 = arith.index_cast %scan3A_112 : i32 to index
            %swap3A_120 = arith.constant 0 : index
            %swap3A_121 = tpu.vector_load %arg9[%swap3A, %swap3A_119, %swap3A_120] {strides = array<i32>} : memref<4x32x33xf32, #tpu.memory_space<vmem>>, vector<16xf32>,
            tpu.vector_store %arg9[%swap3A, %swap3A_119, %swap3A_120], %mul3A_118 {strides = array<i32>} : memref<4x32x33xf32, #tpu.memory_space<vmem>>, vector<16xf32>,
            %get3A_122 = arith.index_cast %and3A_65 : i32 to index
            %get3A_123 = arith.index_cast %scan3A_112 : i32 to index
            %get3A_124 = arith.constant 16 : index
            %get3A_125 = tpu.vector_load %arg9[%get3A_122, %get3A_123, %get3A_124] {strides = array<i32>} : memref<4x32x33xf32, #tpu.memory_space<vmem>>, vector<16xf32>,
            %mul3A_126 = arith.mulf %get3A_125, %get3A_83 : vector<16xf32>
            %swap3A_127 = arith.index_cast %and3A_65 : i32 to index
            %swap3A_128 = arith.index_cast %scan3A_112 : i32 to index
            %swap3A_129 = arith.constant 16 : index
            %swap3A_130 = tpu.vector_load %arg9[%swap3A_127, %swap3A_128, %swap3A_129] {strides = array<i32>} : memref<4x32x33xf32, #tpu.memory_space<vmem>>, vector<16xf32>,
            tpu.vector_store %arg9[%swap3A_127, %swap3A_128, %swap3A_129], %mul3A_126 {strides = array<i32>} : memref<4x32x33xf32, #tpu.memory_space<vmem>>, vector<16xf32>,
            %scan3A_131 = arith.constant 0 : i32
            %scan3A_132 = arith.constant 1 : i32
            %scan3A_133 = arith.addi %scan3A_112, %scan3A_132 : i32
            %get3A_134 = arith.index_cast %and3A_65 : i32 to index
            %get3A_135 = arith.index_cast %scan3A_133 : i32 to index
            %get3A_136 = arith.constant 0 : index
            %get3A_137 = tpu.vector_load %arg9[%get3A_134, %get3A_135, %get3A_136] {strides = array<i32>} : memref<4x32x33xf32, #tpu.memory_space<vmem>>, vector<16xf32>,
            %mul3A_138 = arith.mulf %get3A_137, %get3A_78 : vector<16xf32>
            %swap3A_139 = arith.index_cast %and3A_65 : i32 to index
            %swap3A_140 = arith.index_cast %scan3A_133 : i32 to index
            %swap3A_141 = arith.constant 0 : index
            %swap3A_142 = tpu.vector_load %arg9[%swap3A_139, %swap3A_140, %swap3A_141] {strides = array<i32>} : memref<4x32x33xf32, #tpu.memory_space<vmem>>, vector<16xf32>,
            tpu.vector_store %arg9[%swap3A_139, %swap3A_140, %swap3A_141], %mul3A_138 {strides = array<i32>} : memref<4x32x33xf32, #tpu.memory_space<vmem>>, vector<16xf32>,
            %get3A_143 = arith.index_cast %and3A_65 : i32 to index
            %get3A_144 = arith.index_cast %scan3A_133 : i32 to index
            %get3A_145 = arith.constant 16 : index
            %get3A_146 = tpu.vector_load %arg9[%get3A_143, %get3A_144, %get3A_145] {strides = array<i32>} : memref<4x32x33xf32, #tpu.memory_space<vmem>>, vector<16xf32>,
            %mul3A_147 = arith.mulf %get3A_146, %get3A_83 : vector<16xf32>
            %swap3A_148 = arith.index_cast %and3A_65 : i32 to index
            %swap3A_149 = arith.index_cast %scan3A_133 : i32 to index
            %swap3A_150 = arith.constant 16 : index
            %swap3A_151 = tpu.vector_load %arg9[%swap3A_148, %swap3A_149, %swap3A_150] {strides = array<i32>} : memref<4x32x33xf32, #tpu.memory_space<vmem>>, vector<16xf32>,
            tpu.vector_store %arg9[%swap3A_148, %swap3A_149, %swap3A_150], %mul3A_147 {strides = array<i32>} : memref<4x32x33xf32, #tpu.memory_space<vmem>>, vector<16xf32>,
            %scan3A_152 = arith.constant 0 : i32
            %scan3A_153 = arith.constant 2 : i32
            %scan3A_154 = arith.addi %scan3A_112, %scan3A_153 : i32
            %get3A_155 = arith.index_cast %and3A_65 : i32 to index
            %get3A_156 = arith.index_cast %scan3A_154 : i32 to index
            %get3A_157 = arith.constant 0 : index
            %get3A_158 = tpu.vector_load %arg9[%get3A_155, %get3A_156, %get3A_157] {strides = array<i32>} : memref<4x32x33xf32, #tpu.memory_space<vmem>>, vector<16xf32>,
            %mul3A_159 = arith.mulf %get3A_158, %get3A_78 : vector<16xf32>
            %swap3A_160 = arith.index_cast %and3A_65 : i32 to index
            %swap3A_161 = arith.index_cast %scan3A_154 : i32 to index
            %swap3A_162 = arith.constant 0 : index
            %swap3A_163 = tpu.vector_load %arg9[%swap3A_160, %swap3A_161, %swap3A_162] {strides = array<i32>} : memref<4x32x33xf32, #tpu.memory_space<vmem>>, vector<16xf32>,
            tpu.vector_store %arg9[%swap3A_160, %swap3A_161, %swap3A_162], %mul3A_159 {strides = array<i32>} : memref<4x32x33xf32, #tpu.memory_space<vmem>>, vector<16xf32>,
            %get3A_164 = arith.index_cast %and3A_65 : i32 to index
            %get3A_165 = arith.index_cast %scan3A_154 : i32 to index
            %get3A_166 = arith.constant 16 : index
            %get3A_167 = tpu.vector_load %arg9[%get3A_164, %get3A_165, %get3A_166] {strides = array<i32>} : memref<4x32x33xf32, #tpu.memory_space<vmem>>, vector<16xf32>,
            %mul3A_168 = arith.mulf %get3A_167, %get3A_83 : vector<16xf32>
            %swap3A_169 = arith.index_cast %and3A_65 : i32 to index
            %swap3A_170 = arith.index_cast %scan3A_154 : i32 to index
            %swap3A_171 = arith.constant 16 : index
            %swap3A_172 = tpu.vector_load %arg9[%swap3A_169, %swap3A_170, %swap3A_171] {strides = array<i32>} : memref<4x32x33xf32, #tpu.memory_space<vmem>>, vector<16xf32>,
            tpu.vector_store %arg9[%swap3A_169, %swap3A_170, %swap3A_171], %mul3A_168 {strides = array<i32>} : memref<4x32x33xf32, #tpu.memory_space<vmem>>, vector<16xf32>,
            %scan3A_173 = arith.constant 0 : i32
            %scan3A_174 = arith.constant 3 : i32
            %scan3A_175 = arith.addi %scan3A_112, %scan3A_174 : i32
            %get3A_176 = arith.index_cast %and3A_65 : i32 to index
            %get3A_177 = arith.index_cast %scan3A_175 : i32 to index
            %get3A_178 = arith.constant 0 : index
            %get3A_179 = tpu.vector_load %arg9[%get3A_176, %get3A_177, %get3A_178] {strides = array<i32>} : memref<4x32x33xf32, #tpu.memory_space<vmem>>, vector<16xf32>,
            %mul3A_180 = arith.mulf %get3A_179, %get3A_78 : vector<16xf32>
            %swap3A_181 = arith.index_cast %and3A_65 : i32 to index
            %swap3A_182 = arith.index_cast %scan3A_175 : i32 to index
            %swap3A_183 = arith.constant 0 : index
            %swap3A_184 = tpu.vector_load %arg9[%swap3A_181, %swap3A_182, %swap3A_183] {strides = array<i32>} : memref<4x32x33xf32, #tpu.memory_space<vmem>>, vector<16xf32>,
            tpu.vector_store %arg9[%swap3A_181, %swap3A_182, %swap3A_183], %mul3A_180 {strides = array<i32>} : memref<4x32x33xf32, #tpu.memory_space<vmem>>, vector<16xf32>,
            %get3A_185 = arith.index_cast %and3A_65 : i32 to index
            %get3A_186 = arith.index_cast %scan3A_175 : i32 to index
            %get3A_187 = arith.constant 16 : index
            %get3A_188 = tpu.vector_load %arg9[%get3A_185, %get3A_186, %get3A_187] {strides = array<i32>} : memref<4x32x33xf32, #tpu.memory_space<vmem>>, vector<16xf32>,
            %mul3A_189 = arith.mulf %get3A_188, %get3A_83 : vector<16xf32>
            %swap3A_190 = arith.index_cast %and3A_65 : i32 to index
            %swap3A_191 = arith.index_cast %scan3A_175 : i32 to index
            %swap3A_192 = arith.constant 16 : index
            %swap3A_193 = tpu.vector_load %arg9[%swap3A_190, %swap3A_191, %swap3A_192] {strides = array<i32>} : memref<4x32x33xf32, #tpu.memory_space<vmem>>, vector<16xf32>,
            tpu.vector_store %arg9[%swap3A_190, %swap3A_191, %swap3A_192], %mul3A_189 {strides = array<i32>} : memref<4x32x33xf32, #tpu.memory_space<vmem>>, vector<16xf32>,
            %scan3A_194 = arith.constant 0 : i32
            scf.yield %scan3A_194 : i32
          }
          %scan3A_97 = arith.constant 32 : i32
          %dma_start3A_98 = arith.constant 0 : i32
          %dma_start3A_99 = arith.constant 0 : i32
          %dma_start3A_100 = tpu.memref_slice %arg9[%and3A_65, %dma_start3A_98, %dma_start3A_99] : memref<4x32x33xf32, #tpu.memory_space<vmem>> -> memref<1x32x32xf32, #tpu.memory_space<vmem>>
          %dma_start3A_101 = tpu.memref_squeeze %dma_start3A_100 : memref<1x32x32xf32, #tpu.memory_space<vmem>> -> memref<32x32xf32, #tpu.memory_space<vmem>>
          %dma_start3A_102 = arith.constant 0 : i32
          %dma_start3A_103 = tpu.memref_slice %arg4[%add3A_61, %dma_start3A_102, %mul3A_2] : memref<50x32x1024xf32, #tpu.memory_space<hbm>> -> memref<1x32x32xf32, #tpu.memory_space<hbm>>
          %dma_start3A_104 = tpu.memref_squeeze %dma_start3A_103 : memref<1x32x32xf32, #tpu.memory_space<hbm>> -> memref<32x32xf32, #tpu.memory_space<hbm>>
          %dma_start3A_105 = arith.constant 0 : i32
          %dma_start3A_106 = tpu.memref_slice %arg4[%add3A_61, %dma_start3A_105, %mul3A_2] : memref<50x32x1024xf32, #tpu.memory_space<hbm>> -> memref<1x32x32xf32, #tpu.memory_space<hbm>>
          %dma_start3A_107 = tpu.memref_squeeze %dma_start3A_106 : memref<1x32x32xf32, #tpu.memory_space<hbm>> -> memref<32x32xf32, #tpu.memory_space<hbm>>
          %dma_start3A_108 = arith.constant 0 : i32
          %dma_start3A_109 = arith.constant 0 : i32
          %dma_start3A_110 = tpu.memref_slice %arg9[%and3A_65, %dma_start3A_108, %dma_start3A_109] : memref<4x32x33xf32, #tpu.memory_space<vmem>> -> memref<1x32x32xf32, #tpu.memory_space<vmem>>
          %dma_start3A_111 = tpu.memref_squeeze %dma_start3A_110 : memref<1x32x32xf32, #tpu.memory_space<vmem>> -> memref<32x32xf32, #tpu.memory_space<vmem>>
          tpu.enqueue_dma source(%dma_start3A_111 : memref<32x32xf32, #tpu.memory_space<vmem>>) target(%dma_start3A_107 : memref<32x32xf32, #tpu.memory_space<hbm>>) target_semaphore(%arg12 : memref<!tpu.dma_semaphore, #tpu.memory_space<semaphore_mem>>)
        } else {
        }
        %scan3A_64 = arith.constant 0 : i32
        scf.yield %scan3A_64 : i32
      }
      %scan3A_55 = arith.constant 4 : i32
      %scan3A_56 = arith.constant 0 : i32
      scf.yield %scan3A_56 : i32
    }
    %scan3A_32 = arith.constant 13 : i32
    %scan3A_33 = arith.constant 0 : i32
    %scan3A_34 = arith.constant 0 : i32
    %scan3A_35 = arith.constant 4 : i32
    %scan3A_36 = arith.addi %scan3A_34, %scan3A_35 : i32
    %scan3A_37 = arith.constant 1 : i32
    %scan3A_38 = scf.for %scan3A_40 = %scan3A_34 to %scan3A_36 step %scan3A_37 iter_args(%scan3A_41 = %scan3A_33) -> (i32)  : i32 {
      %dma_wait3A = arith.constant 0 : i32
      %dma_wait3A_42 = arith.constant 0 : i32
      %dma_wait3A_43 = arith.constant 0 : i32
      %dma_wait3A_44 = arith.constant 0 : i32
      %dma_wait3A_45 = tpu.memref_slice %arg9[%dma_wait3A, %dma_wait3A_43, %dma_wait3A_44] : memref<4x32x33xf32, #tpu.memory_space<vmem>> -> memref<1x32x32xf32, #tpu.memory_space<vmem>>
      %dma_wait3A_46 = tpu.memref_squeeze %dma_wait3A_45 : memref<1x32x32xf32, #tpu.memory_space<vmem>> -> memref<32x32xf32, #tpu.memory_space<vmem>>
      %dma_wait3A_47 = arith.constant 0 : i32
      %dma_wait3A_48 = arith.constant 0 : i32
      %dma_wait3A_49 = tpu.memref_slice %arg4[%dma_wait3A_42, %dma_wait3A_47, %dma_wait3A_48] : memref<50x32x1024xf32, #tpu.memory_space<hbm>> -> memref<1x32x32xf32, #tpu.memory_space<hbm>>
      %dma_wait3A_50 = tpu.memref_squeeze %dma_wait3A_49 : memref<1x32x32xf32, #tpu.memory_space<hbm>> -> memref<32x32xf32, #tpu.memory_space<hbm>>
      %dma_wait3A_51 = arith.constant 0 : i32
      %dma_wait3A_52 = arith.constant 0 : i32
      %dma_wait3A_53 = tpu.memref_slice %arg4[%dma_wait3A_42, %dma_wait3A_51, %dma_wait3A_52] : memref<50x32x1024xf32, #tpu.memory_space<hbm>> -> memref<1x32x32xf32, #tpu.memory_space<hbm>>
      %dma_wait3A_54 = tpu.memref_squeeze %dma_wait3A_53 : memref<1x32x32xf32, #tpu.memory_space<hbm>> -> memref<32x32xf32, #tpu.memory_space<hbm>>
      %dma_wait3A_55 = arith.constant 0 : i32
      %dma_wait3A_56 = arith.constant 0 : i32
      %dma_wait3A_57 = tpu.memref_slice %arg9[%dma_wait3A, %dma_wait3A_55, %dma_wait3A_56] : memref<4x32x33xf32, #tpu.memory_space<vmem>> -> memref<1x32x32xf32, #tpu.memory_space<vmem>>
      %dma_wait3A_58 = tpu.memref_squeeze %dma_wait3A_57 : memref<1x32x32xf32, #tpu.memory_space<vmem>> -> memref<32x32xf32, #tpu.memory_space<vmem>>
      tpu.wait_dma2 semaphore(%arg12 : memref<!tpu.dma_semaphore, #tpu.memory_space<semaphore_mem>>) src(%dma_wait3A_58 : memref<32x32xf32, #tpu.memory_space<vmem>>) dst(%dma_wait3A_54 : memref<32x32xf32, #tpu.memory_space<hbm>>)
      %scan3A_59 = arith.constant 0 : i32
      scf.yield %scan3A_59 : i32
    }
    %scan3A_39 = arith.constant 4 : i32
    return
  }
}

</mosaic_0001>

<sc_bundles>
// kernel: _sc_embed.3.cloned.1.call-start
scs
__scs_entry_jumppad:
0x0: {  	(pc) =	sbr.rel $0x88, $3  }
0x1: {  	(tag) =	ssettag $0x0;
	lr =	simm.s32 $0x1  }
0x2: {  	[smem:$0x3F9F] =	sst lr;
	_ =	strace $0xD0000000  }
0x3: {  	_ = 	snop  }
0x4: {  	_ = 	snop  }
0x5: {  	_ = 	snop  }
0x6: {  	_ = 	snop  }
0x7: {  	_ = 	snop  }
__scs_overlays_trampoline_lowered:
0x8: {  	[smem:$0x3FAE] =	sst s0  }
0x9: {  	[smem:$0x3FAF] =	sst s1  }
0xa: {  	[smem:$0x3FB0] =	sst s2  }
0xb: {  	[smem:$0x3FB1] =	sst s3  }
0xc: {  	[smem:$0x3FB2] =	sst s4  }
0xd: {  	[smem:$0x3FB3] =	sst s5  }
0xe: {  	[smem:$0x3FB4] =	sst s6  }
0xf: {  	[smem:$0x3FB5] =	sst s7  }
0x10: {  	[smem:$0x3FB6] =	sst s8  }
0x11: {  	[smem:$0x3FB7] =	sst s9;
	s0 =	simm.s32 @!p0 $0x0  }
0x12: {  	s1 =	sld [smem:$0x3F9D];
	s0 =	simm.s32 @p0 $0x1  }
0x13: {  	[smem:$0x3FB8] =	sst s0;
	s0 =	simm.s32 @!p1 $0x0  }
0x14: {  	s2 =	sld [smem:$0x3F9C];
	s0 =	simm.s32 @p1 $0x1  }
0x15: {  	[smem:$0x3FB9] =	sst s0;
	s0 =	simm.s32 @!p2 $0x0  }
0x16: {  	s3 =	sld [smem:$0x3FDB];
	s0 =	simm.s32 @p2 $0x1  }
0x17: {  	s4 =	simm.s32 $0x1BF5;
	[smem:$0x3FBB] =	sst s0  }
0x18: {  	s0 =	sld [smem:$0x3F9E];
	_ =	swait.ge [sflag:s4], $0x0  }
0x19: {  	s7 =	sld [smem:$0x3F9F]  }
0x1a: {  	s8 =	sadd.s32 $0xFFFFE003, lr  }
0x1b: {  	s9 =	sadd.s32 $0xFFFFFEF7, lr;
	s5 =	simm.s32 $0xFFFFFFFF;
	p2 =	slt.u32 s8, $0xFFFFF086  }
0x1c: {  	p1 =	slt.u32 s9, $0xF7A;
	s5 =	simm.s32 @!p2 $0x0  }
0x1d: {  	s5 =	simm.s32 @p1 $0x1;
	p0 =	seq.s32 s7, s2  }
0x1e: {  	s7 =	smul.u32 @!p0 $0xF7A, s2;
	p2 =	seq.s32 @!p0 s5, $0x0  }
0x1f: {  	s9 =	smul.u32 $0xF7A, s1;
	s8 =	simm.s32 @!p0 $0x1BF5;
	p2 =	por !p2, p0  }
0x20: {  	[sflag:s8] =	ssyncset.s32 @!p0 $0xFFFFF086;
	s6 =	sadd.s32 @!p0 s3, s7;
	s7 =	simm.s32 @!p0 $0x108  }
0x21: {  	s3 =	sadd.s32 s3, s9;
	s6 =	sadd.s32 @!p0 $0x88, s6;
	s7 =	simm.s32 @p2 $0x1082  }
0x22: {  	[simem:s7], [sflag:s8] =	dma.local @!p0 [hbm:s6], $0xF7A  }
0x23: {  	s9 =	sor.u32 $0xD0000000, s2;
	s6 =	simm.s32 $0x108;
	_ =	swait.ge @!p0 [sflag:s8], $0x0  }
0x24: {  	s3 =	sadd.s32 $0x88, s3;
	s6 =	simm.s32 @!p1 $0x1082;
	[sflag:s4] =	ssyncset.s32 $0xFFFFF086  }
0x25: {  	[simem:s6], [sflag:s4] =	dma.local [hbm:s3], $0xF7A  }
0x26: {  	[smem:$0x3F9F] =	sst s1;
	(tag) =	ssettag s2;
	_ =	strace s9  }
0x27: {  	s1 =	sld [smem:$0x3FAF]  }
0x28: {  	s2 =	sld [smem:$0x3FB0]  }
0x29: {  	s4 =	sld [smem:$0x3FB2]  }
0x2a: {  	p0 =	seq.s32 s5, $0x0;
	s5 =	sld [smem:$0x3FB3]  }
0x2b: {  	s6 =	sld [smem:$0x3FB4]  }
0x2c: {  	s7 =	sld [smem:$0x3FB5]  }
0x2d: {  	s3 =	simm.s32 $0x108;
	s8 =	sld [smem:$0x3FB6]  }
0x2e: {  	s3 =	simm.s32 @!p0 $0x1082;
	s9 =	sld [smem:$0x3FB7]  }
0x2f: {  	lr =	sadd.s32 s0, s3;
	s0 =	sld [smem:$0x3FAE]  }
0x30: {  	s3 =	sld [smem:$0x3FB1]  }
0x31: {  	[smem:$0x3FBA] =	sst s10  }
0x32: {  	s10 =	sld [smem:$0x3FB8];
	_ =	sdelay $0x3  }
0x33: {  	p0 =	seq.s32 s10, $0x1;
	s10 =	sld [smem:$0x3FBA];
	_ =	sdelay $0x3  }
0x34: {  	[smem:$0x3FBA] =	sst s10  }
0x35: {  	s10 =	sld [smem:$0x3FB9];
	_ =	sdelay $0x3  }
0x36: {  	p1 =	seq.s32 s10, $0x1;
	s10 =	sld [smem:$0x3FBA];
	_ =	sdelay $0x3  }
0x37: {  	[smem:$0x3FBA] =	sst s10  }
0x38: {  	s10 =	sld [smem:$0x3FBB]  }
0x39: {  	_ = 	snop;
	(pc) =	sbr.ind lr, $3  }
0x3a: {  	_ = 	snop  }
0x3b: {  	_ = 	snop  }
0x3c: {  	p2 =	seq.s32 s10, $0x1;
	s10 =	sld [smem:$0x3FBA]  }
0x3d: {  	_ =	shalt  }
0x3e: {  	_ =	shalt  }
0x3f: {  	_ =	shalt  }
0x40: {  	_ =	shalt  }
0x41: {  	_ =	shalt  }
0x42: {  	_ =	shalt  }
0x43: {  	_ =	shalt  }
0x44: {  	_ =	shalt  }
0x45: {  	_ =	shalt  }
0x46: {  	_ =	shalt  }
0x47: {  	_ =	shalt  }
0x48: {  	_ =	shalt  }
0x49: {  	_ =	shalt  }
0x4a: {  	_ =	shalt  }
0x4b: {  	_ =	shalt  }
0x4c: {  	_ =	shalt  }
0x4d: {  	_ =	shalt  }
0x4e: {  	_ =	shalt  }
0x4f: {  	_ =	shalt  }
0x50: {  	_ =	shalt  }
0x51: {  	_ =	shalt  }
0x52: {  	_ =	shalt  }
0x53: {  	_ =	shalt  }
0x54: {  	_ =	shalt  }
0x55: {  	_ =	shalt  }
0x56: {  	_ =	shalt  }
0x57: {  	_ =	shalt  }
0x58: {  	_ =	shalt  }
0x59: {  	_ =	shalt  }
0x5a: {  	_ =	shalt  }
0x5b: {  	_ =	shalt  }
0x5c: {  	_ =	shalt  }
0x5d: {  	_ =	shalt  }
0x5e: {  	_ =	shalt  }
0x5f: {  	_ =	shalt  }
0x60: {  	_ =	shalt  }
0x61: {  	_ =	shalt  }
0x62: {  	_ =	shalt  }
0x63: {  	_ =	shalt  }
0x64: {  	_ =	shalt  }
0x65: {  	_ =	shalt  }
0x66: {  	_ =	shalt  }
0x67: {  	_ =	shalt  }
0x68: {  	_ =	shalt  }
0x69: {  	_ =	shalt  }
0x6a: {  	_ =	shalt  }
0x6b: {  	_ =	shalt  }
0x6c: {  	_ =	shalt  }
0x6d: {  	_ =	shalt  }
0x6e: {  	_ =	shalt  }
0x6f: {  	_ =	shalt  }
0x70: {  	_ =	shalt  }
0x71: {  	_ =	shalt  }
0x72: {  	_ =	shalt  }
0x73: {  	_ =	shalt  }
0x74: {  	_ =	shalt  }
0x75: {  	_ =	shalt  }
0x76: {  	_ =	shalt  }
0x77: {  	_ =	shalt  }
0x78: {  	_ =	shalt  }
0x79: {  	_ =	shalt  }
0x7a: {  	_ =	shalt  }
0x7b: {  	_ =	shalt  }
0x7c: {  	_ =	shalt  }
0x7d: {  	_ =	shalt  }
0x7e: {  	_ =	shalt  }
0x7f: {  	_ =	shalt  }
0x80: {  	_ =	shalt  }
0x81: {  	_ =	shalt  }
0x82: {  	_ =	shalt  }
0x83: {  	_ =	shalt  }
0x84: {  	_ =	shalt  }
0x85: {  	_ =	shalt  }
0x86: {  	_ =	shalt  }
0x87: {  	_ =	shalt  }
.Lfunc_end0:
.L_simem_size_0:
called_computation_lowered:
.L_overlay_start_0:
0x88: {  	s2 =	sld [smem:$0x3FD9]  }
0x89: {  	s3 =	sld [smem:$0x3FFE];
	_ =	sdelay $0x1  }
0x8a: {  	s1 =	srdreg.scid  }
0x8b: {  	s0 =	sand.u32 $0x1, s1  }
0x8c: {  	s17 =	sshll.u32 s0, $0xA;
	s2 =	sadd.s32 s3, s2  }
0x8d: {  	s2 =	sadd.s32 s2, s17  }
0x8e: {  	[smem:$0x3FC6] =	sst s2  }
0x8f: {  	_ = 	snop  }
0x90: {  	s2 =	sld [smem:$0x3FD0];
	(tm) =	ssettm $0x1  }
0x91: {  	s18 =	sld [smem:$0x3FFB];
	_ =	sdelay $0x3  }
0x92: {  	_ =	strace s18  }
0x93: {  	s3 =	sld [smem:$0x3FFC];
	_ =	sdelay $0x3  }
0x94: {  	_ =	strace s3  }
0x95: {  	s3 =	sld [smem:$0x3FFD];
	_ =	sdelay $0x3  }
0x96: {  	_ =	strace s3  }
0x97: {  	_ =	strace $0x8FFFFFFF  }
0x98: {  	s19 =	sld [smem:$0x3FDB];
	_ =	sdelay $0x1  }
0x99: {  	s4 =	simm.s32 $_scs_section_size  }
0x9a: {  	s5 =	simm.s32 $_size__tile_overlayer_lowered;
	s6 =	simm.s32 $_tile_overlayer_lowered  }
0x9b: {  	s22 =	simm.s32 $0x1BFF;
	s21 =	sshll.u32 s6, $0x1;
	s3 =	sadd.s32 s4, s19  }
0x9c: {  	s7 =	simm.s32 $0x0;
	s20 =	sshll.u32 s5, $0x1;
	s5 =	sadd.s32 s21, s3  }
0x9d: {  	[timem:s7], [sflag:s22] =	dma.local [hbm:s5], s20  }
0x9e: {  	_ =	swait.ge [sflag:s22], s20  }
0x9f: {  	s4 =	ssub.s32 $0x0, s20;
	[sflag:s22] =	ssyncset.done $0x0  }
0xa0: {  	[sflag:s22] =	ssyncadd.s32 s4;
	_ =	sdelay $0x1  }
0xa1: {  	s23 =	simm.s32 $0x1B8B  }
0xa2: {  	_ =	swait.ge [sflag:s23], $0x1  }
0xa3: {  	[sflag:s23] =	ssyncset.done $0x0  }
0xa4: {  	s25 =	simm.s32 $0x1B8E;
	s24 =	sld [smem:$0x3FFE];
	[sflag:s23] =	ssyncadd.s32 $0xFFFFFFFF  }
0xa5: {  	s26 =	simm.s32 $execute0_lowered;
	[smem:$0x3FD2] =	sst s25  }
0xa6: {  	s5 =	sshll.u32 s26, $0x1;
	_ =	strace $0x80000046;
	[dreg:$0x1] =	wrdreg $0xFFFFFFFF  }
0xa7: {  	s28 =	simm.s32 $_size_execute0_lowered;
	s3 =	sadd.s32 s3, s5;
	[dreg:$0x0] =	wrdreg $0x0  }
0xa8: {  	s5 =	sshll.u32 s28, $0x1;
	[dreg:$0x2] =	wrdreg s3  }
0xa9: {  	[dreg:$0x3] =	wrdreg s5  }
0xaa: {  	[dreg:$0x4] =	wrdreg $0xC0  }
0xab: {  	_ =	task [dreg:s7], $0x5FFFF  }
0xac: {  	[dreg:$0x1] =	wrdreg $0xFFFFFFFF  }
0xad: {  	[dreg:$0x0] =	wrdreg $0x60  }
0xae: {  	[dreg:$0x2] =	wrdreg s24  }
0xaf: {  	[dreg:$0x3] =	wrdreg s2  }
0xb0: {  	[dreg:$0x4] =	wrdreg $0x9  }
0xb1: {  	_ =	task.clear_ibuf [dreg:s7], $0x5FFFF;
	_ =	strace $0x90000046  }
0xb2: {  	s29 =	simm.s32 $0x9;
	_ =	strace $0x80000048  }
0xb3: {  	_ =	swait.ge [sflag:s29], $0x1  }
0xb4: {  	[sflag:s29] =	ssyncadd.s32 $0xFFFFFFFF  }
0xb5: {  	_ =	strace $0x90000048  }
0xb6: {  	_ =	sfence  }
0xb7: {  	s30 =	sld [smem:$0x0];
	_ =	sdelay $0x2  }
0xb8: {  	s31 =	sshll.u32 s1, $0xD;
	s1 =	sshrl.u32 s1, $0x2  }
0xb9: {  	s3 =	sand.u32 $0x4000, s31;
	s1 =	sadd.s32 s1, s30  }
0xba: {  	s0 =	sor.u32 s3, s0;
	s1 =	sshll.u32 s1, $0x11  }
0xbb: {  	s0 =	sor.u32 s1, s0  }
0xbc: {  	s0 =	sadd.s32 $0x8F2B, s0  }
0xbd: {  	[sflag:s0] =	ssyncadd.remote.s32 $0x1  }
0xbe: {  	_ =	sfence.sel $0xFFFF  }
0xbf: {  	[dreg:$0x0] =	wrdreg $0xFFFFFFFF;
	(pc) =	sbr.abs _section_cstart, $3  }
0xc0: {  	[dreg:$0x1] =	wrdreg $0xFFFFFFFF  }
0xc1: {  	_ =	task.clear_ibuf [dreg:s7], $0x2FFFF;
	_ =	strace $0x9FFFFFFF  }
0xc2: {  	(tm) =	ssettm $0x7FFFFFFF  }
0xc3: {  	_ =	shalt  }
tec
execute0_lowered:
.L_overlay_start_1:
0x0: {  	(tag) =	ssettag $0x1  }
0x1: {  	s6 =	rddreg [dreg:$0x0]  }
0x2: {  	s1 =	rddreg [dreg:$0x1]  }
0x3: {  	s0 =	rddreg [dreg:$0x2]  }
0x4: {  	s3 =	simm.s32 $0x0;
	s4 =	srdreg.scid;
	s2 =	stileid.u32  }
0x5: {  	s9 =	simm.s32 $0x20;
	s10 =	simm.s32 $0x400;
	s11 =	simm.s32 $0x1  }
0x6: {  	s12 =	simm.s32 $0x80;
	s13 =	simm.s32 $0xF;
	s14 =	simm.s32 $0x0  }
.Ltmp0:
0x7: {  	[smem:$0x7FF] =	sst s3;
	s4 =	sand.u32 $0x1, s4;
	(pc) =	sbr.rel .LBB2_1-.Ltmp0, $4  }
0x8: {  	v0 =	vlaneseq.u32;
	s5 =	sshll.u32 s2, $0x6;
	s7 =	ssub.s32 $0x2, s4;
	s4 =	sshll.u32 s4, $0x5  }
0x9: {  	v0 =	vmul.u32 $0x28, v0;
	_ =	strace $0x80000047;
	s8 =	sshrl.u32 s7, $0x1;
	s4 =	sor.u32 s4, s5  }
0xa: {  	s5 =	sadd.s32 $0x200C00, s6;
	s8 =	ssub.s32 s7, s8;
	s31 =	sshrl.u32 s4, $0x3  }
0xb: {  	v1 =	vimm.f32 $0.0e+00;
	s6 =	sadd.s32 $0xC00, s6;
	v2 =	vadd.s32 $0x280, v0;
	s7 =	sadd.s32 s1, s31;
	s8 =	smax.u32 s8, $0x1  }
.LBB2_17:
0xc: {  	_ =	swait.ge [sflag:s13], $0x400  }
0xd: {  	[sflag:s13] =	ssyncset.done $0x0  }
0xe: {  	[sflag:s13] =	ssyncadd.s32 $0xFFFFFC00  }
0xf: {  	_ =	swait.ge [sflag:s13], $0x400  }
0x10: {  	[sflag:s13] =	ssyncset.done $0x0  }
0x11: {  	s14 =	sadd.s32 $0x1, s14;
	[sflag:s13] =	ssyncadd.s32 $0xFFFFFC00  }
0x12: {  	p0 =	sne.s32 s14, s8;
	_ =	swait.ge [sflag:s13], $0x400  }
.Ltmp1:
0x13: {  	[sflag:s13] =	ssyncset.done $0x0;
	(pc) =	sbr.rel @!p0 .LBB2_18-.Ltmp1, $4  }
0x14: {  	[sflag:s13] =	ssyncadd.s32 $0xFFFFFC00  }
0x15: {  	_ =	swait.ge [sflag:s13], $0x400  }
0x16: {  	[sflag:s13] =	ssyncset.done $0x0  }
0x17: {  	[sflag:s13] =	ssyncadd.s32 $0xFFFFFC00  }
.LBB2_1:
0x18: {  	[tilespmem:s3], [sflag:$0x1] =	stream.strided.gather [hbm4b:s7+s9], $0xA00, s10, s9, $0x38;
	[tilespmem:$0x18080] =	vst v63  }
0x19: {  	s15 =	simm.s32 $0x16600  }
0x1a: {  	s16 =	simm.s32 $0x1900;
	s17 =	simm.s32 $0x9680;
	s20 =	simm.s32 $0x0  }
.LBB2_2:
0x1b: {  	s18 =	sadd.s32 $0x1, s20;
	p0 =	seq.s32 s20, $0xC  }
0x1c: {  	s19 =	sshll.u32 @!p0 s18, $0x2  }
0x1d: {  	s24 =	smul.u32 $0x2800, s20;
	s19 =	smin.u32 @!p0 s19, $0x2E  }
0x1e: {  	_ =	swait.ge [sflag:s11], $0xA00;
	s19 =	smul.u32 @!p0 $0x5000, s19  }
0x1f: {  	s21 =	sand.u32 @!p0 $0x1, s18;
	[sflag:s11] =	ssyncset.done $0x0;
	s22 =	simm.s32 @!p0 $0x20  }
0x20: {  	s23 =	simm.s32 @!p0 $0x400;
	p1 =	seq.s32 @!p0 s21, $0x1;
	s19 =	sor.u32 @!p0 s4, s19  }
0x21: {  	s21 =	simm.s32 @!p0 $0xA00;
	p1 =	por !p1, p0;
	s19 =	sshrl.u32 @!p0 s19, $0x3  }
0x22: {  	[sflag:s11] =	ssyncadd.s32 $0xFFFFF600;
	s21 =	simm.s32 @p1 $0x0;
	s19 =	sadd.s32 @!p0 s1, s19  }
0x23: {  	[tilespmem:s21], [sflag:$0x1] =	stream.strided.gather @!p0 [hbm4b:s19+s22], $0xA00, s23, s22, $0x38;
	[tilespmem:$0x18080] =	vst v63  }
0x24: {  	s19 =	sshra.s32 s24, $0x2;
	s24 =	simm.s32 $0x0  }
0x25: {  	s25 =	sand.u32 $0x1, s20;
	s24 =	smul.u32 $0xA00, s24  }
0x26: {  	p0 =	seq.s32 s25, $0x1;
	s22 =	simm.s32 $0xA00  }
0x27: {  	s26 =	simm.s32 $0x0;
	s22 =	simm.s32 @!p0 $0x0;
	s24 =	sshra.s32 s24, $0x2  }
0x28: {  	s23 =	sand.u32 $0x10, s26;
	s24 =	sadd.s32 s24, s22  }
0x29: {  	s23 =	sadd.s32 s23, s24  }
0x2a: {  	v3 =	vld [tilespmem:s23+$0x0];
	_ =	sdelay $0x4  }
0x2b: {  	v4 =	vshll.u32 v3, $0x2;
	v5 =	vshrl.u32 v3, $0xF  }
0x2c: {  	v4 =	vand.u32 $0x1FFFC, v4;
	v5 =	vand.u32 $0x3, v5  }
0x2d: {  	v4 =	vor.u32 v5, v4  }
0x2e: {  	[tilespmem:s16+$0xFFFFFB00] =	vst v4  }
0x2f: {  	v4 =	vld [tilespmem:s23+$0x20];
	_ =	sdelay $0x4  }
0x30: {  	v5 =	vshll.u32 v4, $0x2;
	v6 =	vshrl.u32 v4, $0xF  }
0x31: {  	v5 =	vand.u32 $0x1FFFC, v5;
	v6 =	vand.u32 $0x3, v6  }
0x32: {  	v5 =	vor.u32 v6, v5  }
0x33: {  	[tilespmem:s16+$0xFFFFFB80] =	vst v5  }
0x34: {  	v5 =	vld [tilespmem:s23+$0x40];
	_ =	sdelay $0x4  }
0x35: {  	v35 =	vshll.u32 v5, $0x2;
	v7 =	vshrl.u32 v5, $0xF  }
0x36: {  	v6 =	vand.u32 $0x1FFFC, v35;
	v7 =	vand.u32 $0x3, v7  }
0x37: {  	v6 =	vor.u32 v7, v6  }
0x38: {  	[tilespmem:s16+$0xFFFFFC00] =	vst v6  }
0x39: {  	v6 =	vld [tilespmem:s23+$0x60];
	_ =	sdelay $0x4  }
0x3a: {  	v36 =	vshll.u32 v6, $0x2;
	v8 =	vshrl.u32 v6, $0xF  }
0x3b: {  	v7 =	vand.u32 $0x1FFFC, v36;
	v8 =	vand.u32 $0x3, v8  }
0x3c: {  	v7 =	vor.u32 v8, v7  }
0x3d: {  	[tilespmem:s16+$0xFFFFFC80] =	vst v7  }
0x3e: {  	v7 =	vld [tilespmem:s23+$0x80];
	_ =	sdelay $0x4  }
0x3f: {  	v37 =	vshll.u32 v7, $0x2;
	v9 =	vshrl.u32 v7, $0xF  }
0x40: {  	v8 =	vand.u32 $0x1FFFC, v37;
	v9 =	vand.u32 $0x3, v9  }
0x41: {  	v8 =	vor.u32 v9, v8  }
0x42: {  	[tilespmem:s16+$0xFFFFFD00] =	vst v8  }
0x43: {  	v8 =	vld [tilespmem:s23+$0xA0];
	_ =	sdelay $0x4  }
0x44: {  	v38 =	vshll.u32 v8, $0x2;
	v10 =	vshrl.u32 v8, $0xF  }
0x45: {  	v9 =	vand.u32 $0x1FFFC, v38;
	v10 =	vand.u32 $0x3, v10  }
0x46: {  	v9 =	vor.u32 v10, v9  }
0x47: {  	[tilespmem:s16+$0xFFFFFD80] =	vst v9  }
0x48: {  	v9 =	vld [tilespmem:s23+$0xC0];
	_ =	sdelay $0x4  }
0x49: {  	v39 =	vshll.u32 v9, $0x2;
	v11 =	vshrl.u32 v9, $0xF  }
0x4a: {  	v10 =	vand.u32 $0x1FFFC, v39;
	v11 =	vand.u32 $0x3, v11  }
0x4b: {  	v10 =	vor.u32 v11, v10  }
0x4c: {  	[tilespmem:s16+$0xFFFFFE00] =	vst v10  }
0x4d: {  	v10 =	vld [tilespmem:s23+$0xE0];
	_ =	sdelay $0x4  }
0x4e: {  	v40 =	vshll.u32 v10, $0x2;
	v12 =	vshrl.u32 v10, $0xF  }
0x4f: {  	v11 =	vand.u32 $0x1FFFC, v40;
	v12 =	vand.u32 $0x3, v12  }
0x50: {  	v11 =	vor.u32 v12, v11  }
0x51: {  	[tilespmem:s16+$0xFFFFFE80] =	vst v11  }
0x52: {  	v11 =	vld [tilespmem:s23+$0x100];
	_ =	sdelay $0x4  }
0x53: {  	v41 =	vshll.u32 v11, $0x2;
	v13 =	vshrl.u32 v11, $0xF  }
0x54: {  	v12 =	vand.u32 $0x1FFFC, v41;
	v13 =	vand.u32 $0x3, v13  }
0x55: {  	v12 =	vor.u32 v13, v12  }
0x56: {  	[tilespmem:s16+$0xFFFFFF00] =	vst v12  }
0x57: {  	v12 =	vld [tilespmem:s23+$0x120];
	_ =	sdelay $0x4  }
0x58: {  	v42 =	vshll.u32 v12, $0x2;
	v14 =	vshrl.u32 v12, $0xF  }
0x59: {  	v13 =	vand.u32 $0x1FFFC, v42;
	v14 =	vand.u32 $0x3, v14  }
0x5a: {  	v13 =	vor.u32 v14, v13  }
0x5b: {  	[tilespmem:s16+$0xFFFFFF80] =	vst v13  }
0x5c: {  	v13 =	vld [tilespmem:s23+$0x140];
	_ =	sdelay $0x4  }
0x5d: {  	v43 =	vshll.u32 v13, $0x2;
	v15 =	vshrl.u32 v13, $0xF  }
0x5e: {  	v14 =	vand.u32 $0x1FFFC, v43;
	v15 =	vand.u32 $0x3, v15  }
0x5f: {  	v14 =	vor.u32 v15, v14  }
0x60: {  	[tilespmem:s16+$0x0] =	vst v14  }
0x61: {  	v14 =	vld [tilespmem:s23+$0x160];
	_ =	sdelay $0x4  }
0x62: {  	v44 =	vshll.u32 v14, $0x2;
	v16 =	vshrl.u32 v14, $0xF  }
0x63: {  	v15 =	vand.u32 $0x1FFFC, v44;
	v16 =	vand.u32 $0x3, v16  }
0x64: {  	v15 =	vor.u32 v16, v15  }
0x65: {  	[tilespmem:s16+$0x80] =	vst v15  }
0x66: {  	v15 =	vld [tilespmem:s23+$0x180];
	_ =	sdelay $0x4  }
0x67: {  	v45 =	vshll.u32 v15, $0x2;
	v17 =	vshrl.u32 v15, $0xF  }
0x68: {  	v16 =	vand.u32 $0x1FFFC, v45;
	v17 =	vand.u32 $0x3, v17  }
0x69: {  	v16 =	vor.u32 v17, v16  }
0x6a: {  	[tilespmem:s16+$0x100] =	vst v16  }
0x6b: {  	v16 =	vld [tilespmem:s23+$0x1A0];
	_ =	sdelay $0x4  }
0x6c: {  	v46 =	vshll.u32 v16, $0x2;
	v18 =	vshrl.u32 v16, $0xF  }
0x6d: {  	v17 =	vand.u32 $0x1FFFC, v46;
	v18 =	vand.u32 $0x3, v18  }
0x6e: {  	v17 =	vor.u32 v18, v17  }
0x6f: {  	[tilespmem:s16+$0x180] =	vst v17  }
0x70: {  	v17 =	vld [tilespmem:s23+$0x1C0];
	_ =	sdelay $0x4  }
0x71: {  	v47 =	vshll.u32 v17, $0x2;
	v19 =	vshrl.u32 v17, $0xF  }
0x72: {  	v18 =	vand.u32 $0x1FFFC, v47;
	v19 =	vand.u32 $0x3, v19  }
0x73: {  	v18 =	vor.u32 v19, v18  }
0x74: {  	[tilespmem:s16+$0x200] =	vst v18  }
0x75: {  	v18 =	vld [tilespmem:s23+$0x1E0];
	_ =	sdelay $0x2  }
0x76: {  	vm0 =	vlt.s32 v3, $0x186A0;
	vm1 =	vlt.s32 v4, $0x186A0  }
0x77: {  	v20 =	vsel vm0, $0x3F800000, v1;
	v3 =	vsel vm1, $0x3F800000, v1  }
0x78: {  	v3 =	vadd.f32 v3, v20;
	v4 =	vshll.u32 v18, $0x2;
	v48 =	vshrl.u32 v18, $0xF  }
0x79: {  	vm10 =	vlt.s32 v5, $0x186A0;
	v4 =	vand.u32 $0x1FFFC, v4;
	v19 =	vand.u32 $0x3, v48  }
0x7a: {  	v5 =	vsel vm10, $0x3F800000, v1;
	v4 =	vor.u32 v19, v4  }
0x7b: {  	v3 =	vadd.f32 v5, v3;
	vm11 =	vlt.s32 v6, $0x186A0;
	[tilespmem:s16+$0x280] =	vst v4  }
0x7c: {  	v5 =	vsel vm11, $0x3F800000, v1;
	v4 =	vld [tilespmem:s23+$0x200]  }
0x7d: {  	v3 =	vadd.f32 v5, v3;
	vm12 =	vlt.s32 v7, $0x186A0  }
0x7e: {  	v5 =	vsel vm12, $0x3F800000, v1  }
0x7f: {  	v3 =	vadd.f32 v5, v3;
	vm13 =	vlt.s32 v8, $0x186A0  }
0x80: {  	v49 =	vsel vm13, $0x3F800000, v1  }
0x81: {  	v3 =	vadd.f32 v49, v3;
	v5 =	vshll.u32 v4, $0x2;
	v50 =	vshrl.u32 v4, $0xF  }
0x82: {  	vm14 =	vlt.s32 v9, $0x186A0;
	v5 =	vand.u32 $0x1FFFC, v5;
	v51 =	vand.u32 $0x3, v50  }
0x83: {  	v52 =	vsel vm14, $0x3F800000, v1;
	v5 =	vor.u32 v51, v5  }
0x84: {  	v3 =	vadd.f32 v52, v3;
	vm15 =	vlt.s32 v10, $0x186A0;
	[tilespmem:s16+$0x300] =	vst v5  }
0x85: {  	v5 =	vsel vm15, $0x3F800000, v1;
	v53 =	vld [tilespmem:s23+$0x220]  }
0x86: {  	vm4 =	vlt.s32 v11, $0x186A0;
	v3 =	vadd.f32 v5, v3  }
0x87: {  	v5 =	vsel vm4, $0x3F800000, v1  }
0x88: {  	vm5 =	vlt.s32 v12, $0x186A0;
	v3 =	vadd.f32 v5, v3  }
0x89: {  	vm6 =	vlt.s32 v13, $0x186A0;
	v5 =	vsel vm5, $0x3F800000, v1  }
0x8a: {  	v3 =	vadd.f32 v5, v3;
	v5 =	vshll.u32 v53, $0x2;
	v54 =	vshrl.u32 v53, $0xF  }
0x8b: {  	v55 =	vsel vm6, $0x3F800000, v1;
	v5 =	vand.u32 $0x1FFFC, v5;
	v7 =	vand.u32 $0x3, v54  }
0x8c: {  	vm7 =	vlt.s32 v14, $0x186A0;
	v3 =	vadd.f32 v55, v3;
	v5 =	vor.u32 v7, v5  }
0x8d: {  	v56 =	vsel vm7, $0x3F800000, v1;
	[tilespmem:s16+$0x380] =	vst v5  }
0x8e: {  	vm8 =	vlt.s32 v15, $0x186A0;
	v3 =	vadd.f32 v56, v3;
	v5 =	vld [tilespmem:s23+$0x240]  }
0x8f: {  	v57 =	vsel vm8, $0x3F800000, v1  }
0x90: {  	vm9 =	vlt.s32 v16, $0x186A0;
	v3 =	vadd.f32 v57, v3  }
0x91: {  	v58 =	vsel vm9, $0x3F800000, v1;
	vm10 =	vlt.s32 v17, $0x186A0  }
0x92: {  	v59 =	vsel vm10, $0x3F800000, v1;
	v3 =	vadd.f32 v58, v3  }
0x93: {  	vm11 =	vlt.s32 v18, $0x186A0;
	v60 =	vshll.u32 v5, $0x2;
	v61 =	vshrl.u32 v5, $0xF  }
0x94: {  	v3 =	vadd.f32 v59, v3;
	v7 =	vand.u32 $0x1FFFC, v60;
	v62 =	vand.u32 $0x3, v61  }
0x95: {  	v63 =	vsel vm11, $0x3F800000, v1;
	v7 =	vor.u32 v62, v7  }
0x96: {  	vm12 =	vlt.s32 v4, $0x186A0;
	v3 =	vadd.f32 v63, v3;
	[tilespmem:s16+$0x400] =	vst v7  }
0x97: {  	v4 =	vsel vm12, $0x3F800000, v1;
	v7 =	vld [tilespmem:s23+$0x260]  }
0x98: {  	vm13 =	vlt.s32 v53, $0x186A0;
	v3 =	vadd.f32 v4, v3  }
0x99: {  	v4 =	vsel vm13, $0x3F800000, v1  }
0x9a: {  	vm14 =	vlt.s32 v5, $0x186A0;
	v3 =	vadd.f32 v4, v3  }
0x9b: {  	v4 =	vsel vm14, $0x3F800000, v1  }
0x9c: {  	v3 =	vadd.f32 v4, v3;
	vm15 =	vlt.s32 v7, $0x186A0  }
0x9d: {  	v4 =	vsel vm15, $0x3F800000, v1  }
0x9e: {  	v3 =	vadd.f32 v4, v3;
	_ =	sdelay $0x1  }
0x9f: {  	v3 =	vmax.f32 v3, $1.000000000e+00  }
0xa0: {  	(erf) = vrcp.f32 v3;
	_ =	sdelay $0x3  }
0xa1: {  	v4 =	vshrl.u32 v7, $0xF;
	v3 =	vshll.u32 v7, $0x2  }
0xa2: {  	s31 =	simm.s32 $0x0;
	v4 =	vand.u32 $0x3, v4;
	v3 =	vand.u32 $0x1FFFC, v3  }
0xa3: {  	s23 =	smul.u32 $0xA00, s31;
	v3 =	vor.u32 v4, v3  }
0xa4: {  	s30 =	simm.s32 $0x2;
	s25 =	simm.s32 $0x10  }
0xa5: {  	s21 =	sadd.s32 $0x1400, s19;
	s28 =	sand.u32 $0x10, s25;
	s23 =	sshra.s32 s23, $0x2  }
0xa6: {  	s24 =	smov.u32 s15;
	s29 =	sadd.s32 s23, s22;
	s23 =	sadd.s32 $0x10, s16;
	[tilespmem:s16+$0x480] =	vst v3;
	v3 =	vpop (erf)  }
.LBB2_3:
0xa7: {  	s29 =	sadd.s32 s28, s29  }
0xa8: {  	[tilespmem:s24+$0x0] =	vst v3;
	s24 =	sadd.s32 $0x10, s24;
	s28 =	smov.u32 s30;
	s26 =	sadd.s32 $0x1, s30  }
0xa9: {  	p0 =	seq.s32 s30, $0x7;
	v3 =	vld [tilespmem:s29+$0x0];
	_ =	sdelay $0x4  }
0xaa: {  	v4 =	vshll.u32 v3, $0x2;
	v5 =	vshrl.u32 v3, $0xF;
	vm0 =	vlt.s32 v3, $0x186A0  }
0xab: {  	v3 =	vand.u32 $0x1FFFC, v4;
	v4 =	vand.u32 $0x3, v5  }
0xac: {  	v3 =	vor.u32 v4, v3  }
0xad: {  	[tilespmem:s23+$0xFFFFFB00] =	vst v3  }
0xae: {  	v3 =	vld [tilespmem:s29+$0x20];
	_ =	sdelay $0x4  }
0xaf: {  	v4 =	vshll.u32 v3, $0x2;
	v5 =	vshrl.u32 v3, $0xF;
	vm1 =	vlt.s32 v3, $0x186A0  }
0xb0: {  	v4 =	vand.u32 $0x1FFFC, v4;
	v5 =	vand.u32 $0x3, v5;
	v3 =	vsel vm1, $0x3F800000, v1  }
0xb1: {  	v4 =	vor.u32 v5, v4  }
0xb2: {  	[tilespmem:s23+$0xFFFFFB80] =	vst v4  }
0xb3: {  	v4 =	vld [tilespmem:s29+$0x40];
	_ =	sdelay $0x4  }
0xb4: {  	v5 =	vshll.u32 v4, $0x2;
	v6 =	vshrl.u32 v4, $0xF;
	vm1 =	vlt.s32 v4, $0x186A0  }
0xb5: {  	v5 =	vand.u32 $0x1FFFC, v5;
	v6 =	vand.u32 $0x3, v6;
	v4 =	vsel vm1, $0x3F800000, v1  }
0xb6: {  	v5 =	vor.u32 v6, v5  }
0xb7: {  	[tilespmem:s23+$0xFFFFFC00] =	vst v5  }
0xb8: {  	v5 =	vld [tilespmem:s29+$0x60];
	_ =	sdelay $0x4  }
0xb9: {  	v6 =	vshll.u32 v5, $0x2;
	v7 =	vshrl.u32 v5, $0xF;
	vm1 =	vlt.s32 v5, $0x186A0  }
0xba: {  	v6 =	vand.u32 $0x1FFFC, v6;
	v7 =	vand.u32 $0x3, v7;
	v5 =	vsel vm1, $0x3F800000, v1  }
0xbb: {  	v6 =	vor.u32 v7, v6  }
0xbc: {  	[tilespmem:s23+$0xFFFFFC80] =	vst v6  }
0xbd: {  	v6 =	vld [tilespmem:s29+$0x80];
	_ =	sdelay $0x4  }
0xbe: {  	v7 =	vshll.u32 v6, $0x2;
	v8 =	vshrl.u32 v6, $0xF;
	vm1 =	vlt.s32 v6, $0x186A0  }
0xbf: {  	v7 =	vand.u32 $0x1FFFC, v7;
	v8 =	vand.u32 $0x3, v8;
	v6 =	vsel vm1, $0x3F800000, v1  }
0xc0: {  	v7 =	vor.u32 v8, v7  }
0xc1: {  	[tilespmem:s23+$0xFFFFFD00] =	vst v7  }
0xc2: {  	v7 =	vld [tilespmem:s29+$0xA0];
	_ =	sdelay $0x4  }
0xc3: {  	v8 =	vshll.u32 v7, $0x2;
	v9 =	vshrl.u32 v7, $0xF;
	vm1 =	vlt.s32 v7, $0x186A0  }
0xc4: {  	v8 =	vand.u32 $0x1FFFC, v8;
	v9 =	vand.u32 $0x3, v9;
	v7 =	vsel vm1, $0x3F800000, v1  }
0xc5: {  	v8 =	vor.u32 v9, v8  }
0xc6: {  	[tilespmem:s23+$0xFFFFFD80] =	vst v8  }
0xc7: {  	v8 =	vld [tilespmem:s29+$0xC0];
	_ =	sdelay $0x4  }
0xc8: {  	v9 =	vshll.u32 v8, $0x2;
	v10 =	vshrl.u32 v8, $0xF;
	vm1 =	vlt.s32 v8, $0x186A0  }
0xc9: {  	v9 =	vand.u32 $0x1FFFC, v9;
	v10 =	vand.u32 $0x3, v10;
	v8 =	vsel vm1, $0x3F800000, v1  }
0xca: {  	v9 =	vor.u32 v10, v9  }
0xcb: {  	[tilespmem:s23+$0xFFFFFE00] =	vst v9  }
0xcc: {  	v9 =	vld [tilespmem:s29+$0xE0];
	_ =	sdelay $0x4  }
0xcd: {  	v10 =	vshll.u32 v9, $0x2;
	v11 =	vshrl.u32 v9, $0xF;
	vm1 =	vlt.s32 v9, $0x186A0  }
0xce: {  	v10 =	vand.u32 $0x1FFFC, v10;
	v11 =	vand.u32 $0x3, v11;
	v9 =	vsel vm1, $0x3F800000, v1  }
0xcf: {  	v10 =	vor.u32 v11, v10  }
0xd0: {  	[tilespmem:s23+$0xFFFFFE80] =	vst v10  }
0xd1: {  	v10 =	vld [tilespmem:s29+$0x100];
	_ =	sdelay $0x4  }
0xd2: {  	v11 =	vshll.u32 v10, $0x2;
	v12 =	vshrl.u32 v10, $0xF;
	vm1 =	vlt.s32 v10, $0x186A0  }
0xd3: {  	v11 =	vand.u32 $0x1FFFC, v11;
	v12 =	vand.u32 $0x3, v12;
	v10 =	vsel vm1, $0x3F800000, v1  }
0xd4: {  	v11 =	vor.u32 v12, v11  }
0xd5: {  	[tilespmem:s23+$0xFFFFFF00] =	vst v11  }
0xd6: {  	v11 =	vld [tilespmem:s29+$0x120];
	_ =	sdelay $0x4  }
0xd7: {  	v12 =	vshll.u32 v11, $0x2;
	v13 =	vshrl.u32 v11, $0xF;
	vm1 =	vlt.s32 v11, $0x186A0  }
0xd8: {  	v12 =	vand.u32 $0x1FFFC, v12;
	v13 =	vand.u32 $0x3, v13;
	v11 =	vsel vm1, $0x3F800000, v1  }
0xd9: {  	v12 =	vor.u32 v13, v12  }
0xda: {  	[tilespmem:s23+$0xFFFFFF80] =	vst v12  }
0xdb: {  	v12 =	vld [tilespmem:s29+$0x140];
	_ =	sdelay $0x4  }
0xdc: {  	v13 =	vshll.u32 v12, $0x2;
	v14 =	vshrl.u32 v12, $0xF;
	vm1 =	vlt.s32 v12, $0x186A0  }
0xdd: {  	v13 =	vand.u32 $0x1FFFC, v13;
	v14 =	vand.u32 $0x3, v14;
	v12 =	vsel vm1, $0x3F800000, v1  }
0xde: {  	v13 =	vor.u32 v14, v13  }
0xdf: {  	[tilespmem:s23+$0x0] =	vst v13  }
0xe0: {  	v13 =	vld [tilespmem:s29+$0x160];
	_ =	sdelay $0x4  }
0xe1: {  	v14 =	vshll.u32 v13, $0x2;
	v15 =	vshrl.u32 v13, $0xF;
	vm1 =	vlt.s32 v13, $0x186A0  }
0xe2: {  	v13 =	vand.u32 $0x1FFFC, v14;
	v14 =	vand.u32 $0x3, v15;
	v15 =	vsel vm1, $0x3F800000, v1  }
0xe3: {  	v13 =	vor.u32 v14, v13  }
0xe4: {  	[tilespmem:s23+$0x80] =	vst v13  }
0xe5: {  	v13 =	vld [tilespmem:s29+$0x180];
	_ =	sdelay $0x4  }
0xe6: {  	v14 =	vshll.u32 v13, $0x2;
	v16 =	vshrl.u32 v13, $0xF;
	vm1 =	vlt.s32 v13, $0x186A0  }
0xe7: {  	v13 =	vand.u32 $0x1FFFC, v14;
	v14 =	vand.u32 $0x3, v16;
	v16 =	vsel vm1, $0x3F800000, v1  }
0xe8: {  	v13 =	vor.u32 v14, v13  }
0xe9: {  	[tilespmem:s23+$0x100] =	vst v13  }
0xea: {  	v13 =	vld [tilespmem:s29+$0x1A0];
	_ =	sdelay $0x4  }
0xeb: {  	v14 =	vshll.u32 v13, $0x2;
	v17 =	vshrl.u32 v13, $0xF;
	vm1 =	vlt.s32 v13, $0x186A0  }
0xec: {  	v13 =	vand.u32 $0x1FFFC, v14;
	v14 =	vand.u32 $0x3, v17;
	v17 =	vsel vm1, $0x3F800000, v1  }
0xed: {  	v13 =	vor.u32 v14, v13  }
0xee: {  	[tilespmem:s23+$0x180] =	vst v13  }
0xef: {  	v13 =	vld [tilespmem:s29+$0x1C0];
	_ =	sdelay $0x4  }
0xf0: {  	v14 =	vshll.u32 v13, $0x2;
	v18 =	vshrl.u32 v13, $0xF;
	vm1 =	vlt.s32 v13, $0x186A0  }
0xf1: {  	v13 =	vand.u32 $0x1FFFC, v14;
	v14 =	vand.u32 $0x3, v18;
	v18 =	vsel vm1, $0x3F800000, v1  }
0xf2: {  	v13 =	vor.u32 v14, v13  }
0xf3: {  	[tilespmem:s23+$0x200] =	vst v13  }
0xf4: {  	v13 =	vld [tilespmem:s29+$0x1E0]  }
0xf5: {  	v14 =	vsel vm0, $0x3F800000, v1  }
0xf6: {  	v3 =	vadd.f32 v3, v14;
	_ =	sdelay $0x1  }
0xf7: {  	v3 =	vadd.f32 v4, v3  }
0xf8: {  	v4 =	vshll.u32 v13, $0x2;
	v14 =	vshrl.u32 v13, $0xF;
	vm0 =	vlt.s32 v13, $0x186A0  }
0xf9: {  	v4 =	vand.u32 $0x1FFFC, v4;
	v13 =	vand.u32 $0x3, v14;
	v14 =	vsel vm0, $0x3F800000, v1  }
0xfa: {  	v3 =	vadd.f32 v5, v3;
	v4 =	vor.u32 v13, v4  }
0xfb: {  	[tilespmem:s23+$0x280] =	vst v4  }
0xfc: {  	v3 =	vadd.f32 v6, v3;
	v4 =	vld [tilespmem:s29+$0x200];
	_ =	sdelay $0x1  }
0xfd: {  	v3 =	vadd.f32 v7, v3;
	_ =	sdelay $0x1  }
0xfe: {  	v3 =	vadd.f32 v8, v3  }
0xff: {  	v5 =	vshll.u32 v4, $0x2;
	v6 =	vshrl.u32 v4, $0xF;
	vm0 =	vlt.s32 v4, $0x186A0  }
0x100: {  	v4 =	vand.u32 $0x1FFFC, v5;
	v5 =	vand.u32 $0x3, v6;
	v6 =	vsel vm0, $0x3F800000, v1  }
0x101: {  	v3 =	vadd.f32 v9, v3;
	v4 =	vor.u32 v5, v4  }
0x102: {  	[tilespmem:s23+$0x300] =	vst v4  }
0x103: {  	v3 =	vadd.f32 v10, v3;
	v4 =	vld [tilespmem:s29+$0x220];
	_ =	sdelay $0x1  }
0x104: {  	v3 =	vadd.f32 v11, v3;
	_ =	sdelay $0x1  }
0x105: {  	v3 =	vadd.f32 v12, v3  }
0x106: {  	v5 =	vshll.u32 v4, $0x2;
	v7 =	vshrl.u32 v4, $0xF;
	vm0 =	vlt.s32 v4, $0x186A0  }
0x107: {  	v4 =	vand.u32 $0x1FFFC, v5;
	v5 =	vand.u32 $0x3, v7;
	v7 =	vsel vm0, $0x3F800000, v1  }
0x108: {  	v3 =	vadd.f32 v15, v3;
	v4 =	vor.u32 v5, v4  }
0x109: {  	[tilespmem:s23+$0x380] =	vst v4  }
0x10a: {  	v3 =	vadd.f32 v16, v3;
	v4 =	vld [tilespmem:s29+$0x240];
	_ =	sdelay $0x1  }
0x10b: {  	v3 =	vadd.f32 v17, v3;
	_ =	sdelay $0x1  }
0x10c: {  	v3 =	vadd.f32 v18, v3  }
0x10d: {  	v5 =	vshll.u32 v4, $0x2;
	v8 =	vshrl.u32 v4, $0xF;
	vm0 =	vlt.s32 v4, $0x186A0  }
0x10e: {  	v4 =	vand.u32 $0x1FFFC, v5;
	v5 =	vand.u32 $0x3, v8;
	v8 =	vsel vm0, $0x3F800000, v1  }
0x10f: {  	v4 =	vor.u32 v5, v4  }
0x110: {  	v3 =	vadd.f32 v14, v3;
	[tilespmem:s23+$0x400] =	vst v4  }
0x111: {  	v4 =	vld [tilespmem:s29+$0x260]  }
0x112: {  	v3 =	vadd.f32 v6, v3;
	_ =	sdelay $0x1  }
0x113: {  	v3 =	vadd.f32 v7, v3;
	_ =	sdelay $0x1  }
0x114: {  	v3 =	vadd.f32 v8, v3;
	v5 =	vshll.u32 v4, $0x2;
	vm0 =	vlt.s32 v4, $0x186A0  }
0x115: {  	v4 =	vshrl.u32 v4, $0xF;
	v5 =	vand.u32 $0x1FFFC, v5;
	v6 =	vsel vm0, $0x3F800000, v1  }
0x116: {  	v4 =	vand.u32 $0x3, v4;
	v3 =	vadd.f32 v6, v3  }
0x117: {  	v4 =	vor.u32 v4, v5  }
0x118: {  	[tilespmem:s23+$0x480] =	vst v4;
	v3 =	vmax.f32 v3, $1.000000000e+00  }
0x119: {  	(erf) = vrcp.f32 v3;
	_ =	sdelay $0x4  }
.Ltmp2:
0x11a: {  	s28 =	sshrl.u32 s28, $0x1;
	(pc) =	sbr.rel @!p0 .LBB2_3-.Ltmp2, $3  }
0x11b: {  	s28 =	smul.u32 $0xA00, s28;
	_ =	sdelay $0x1  }
0x11c: {  	s25 =	sadd.s32 $0x10, s25;
	s30 =	smov.u32 s26;
	s29 =	sshra.s32 s28, $0x2  }
0x11d: {  	s28 =	sand.u32 $0x10, s25;
	s29 =	sadd.s32 s29, s22;
	s23 =	sadd.s32 $0x10, s23;
	v3 =	vpop (erf)  }
0x11e: {  	s22 =	sadd.s32 s28, s29;
	[tilespmem:s24+$0x0] =	vst v3  }
0x11f: {  	v3 =	vld [tilespmem:s22+$0x0];
	_ =	sdelay $0x4  }
0x120: {  	v4 =	vshll.u32 v3, $0x2;
	v5 =	vshrl.u32 v3, $0xF  }
0x121: {  	v4 =	vand.u32 $0x1FFFC, v4;
	v5 =	vand.u32 $0x3, v5  }
0x122: {  	v4 =	vor.u32 v5, v4  }
0x123: {  	[tilespmem:s23+$0xFFFFFB00] =	vst v4  }
0x124: {  	v4 =	vld [tilespmem:s22+$0x20];
	_ =	sdelay $0x4  }
0x125: {  	v22 =	vshll.u32 v4, $0x2;
	v6 =	vshrl.u32 v4, $0xF  }
0x126: {  	v5 =	vand.u32 $0x1FFFC, v22;
	v6 =	vand.u32 $0x3, v6  }
0x127: {  	v5 =	vor.u32 v6, v5  }
0x128: {  	[tilespmem:s23+$0xFFFFFB80] =	vst v5  }
0x129: {  	v5 =	vld [tilespmem:s22+$0x40];
	_ =	sdelay $0x4  }
0x12a: {  	v23 =	vshll.u32 v5, $0x2;
	v7 =	vshrl.u32 v5, $0xF  }
0x12b: {  	v6 =	vand.u32 $0x1FFFC, v23;
	v7 =	vand.u32 $0x3, v7  }
0x12c: {  	v6 =	vor.u32 v7, v6  }
0x12d: {  	[tilespmem:s23+$0xFFFFFC00] =	vst v6  }
0x12e: {  	v6 =	vld [tilespmem:s22+$0x60];
	_ =	sdelay $0x4  }
0x12f: {  	v24 =	vshll.u32 v6, $0x2;
	v8 =	vshrl.u32 v6, $0xF  }
0x130: {  	v7 =	vand.u32 $0x1FFFC, v24;
	v8 =	vand.u32 $0x3, v8  }
0x131: {  	v7 =	vor.u32 v8, v7  }
0x132: {  	[tilespmem:s23+$0xFFFFFC80] =	vst v7  }
0x133: {  	v7 =	vld [tilespmem:s22+$0x80];
	_ =	sdelay $0x4  }
0x134: {  	v25 =	vshll.u32 v7, $0x2;
	v9 =	vshrl.u32 v7, $0xF  }
0x135: {  	v8 =	vand.u32 $0x1FFFC, v25;
	v9 =	vand.u32 $0x3, v9  }
0x136: {  	v8 =	vor.u32 v9, v8  }
0x137: {  	[tilespmem:s23+$0xFFFFFD00] =	vst v8  }
0x138: {  	v8 =	vld [tilespmem:s22+$0xA0];
	_ =	sdelay $0x4  }
0x139: {  	v26 =	vshll.u32 v8, $0x2;
	v10 =	vshrl.u32 v8, $0xF  }
0x13a: {  	v9 =	vand.u32 $0x1FFFC, v26;
	v10 =	vand.u32 $0x3, v10  }
0x13b: {  	v9 =	vor.u32 v10, v9  }
0x13c: {  	[tilespmem:s23+$0xFFFFFD80] =	vst v9  }
0x13d: {  	v9 =	vld [tilespmem:s22+$0xC0];
	_ =	sdelay $0x4  }
0x13e: {  	v27 =	vshll.u32 v9, $0x2;
	v11 =	vshrl.u32 v9, $0xF  }
0x13f: {  	v10 =	vand.u32 $0x1FFFC, v27;
	v11 =	vand.u32 $0x3, v11  }
0x140: {  	v10 =	vor.u32 v11, v10  }
0x141: {  	[tilespmem:s23+$0xFFFFFE00] =	vst v10  }
0x142: {  	v10 =	vld [tilespmem:s22+$0xE0];
	_ =	sdelay $0x4  }
0x143: {  	v28 =	vshll.u32 v10, $0x2;
	v12 =	vshrl.u32 v10, $0xF  }
0x144: {  	v11 =	vand.u32 $0x1FFFC, v28;
	v12 =	vand.u32 $0x3, v12  }
0x145: {  	v11 =	vor.u32 v12, v11  }
0x146: {  	[tilespmem:s23+$0xFFFFFE80] =	vst v11  }
0x147: {  	v11 =	vld [tilespmem:s22+$0x100];
	_ =	sdelay $0x4  }
0x148: {  	v29 =	vshll.u32 v11, $0x2;
	v13 =	vshrl.u32 v11, $0xF  }
0x149: {  	v12 =	vand.u32 $0x1FFFC, v29;
	v13 =	vand.u32 $0x3, v13  }
0x14a: {  	v12 =	vor.u32 v13, v12  }
0x14b: {  	[tilespmem:s23+$0xFFFFFF00] =	vst v12  }
0x14c: {  	v12 =	vld [tilespmem:s22+$0x120];
	_ =	sdelay $0x4  }
0x14d: {  	v30 =	vshll.u32 v12, $0x2;
	v14 =	vshrl.u32 v12, $0xF  }
0x14e: {  	v13 =	vand.u32 $0x1FFFC, v30;
	v14 =	vand.u32 $0x3, v14  }
0x14f: {  	v13 =	vor.u32 v14, v13  }
0x150: {  	[tilespmem:s23+$0xFFFFFF80] =	vst v13  }
0x151: {  	v13 =	vld [tilespmem:s22+$0x140];
	_ =	sdelay $0x4  }
0x152: {  	v31 =	vshll.u32 v13, $0x2;
	v15 =	vshrl.u32 v13, $0xF  }
0x153: {  	v14 =	vand.u32 $0x1FFFC, v31;
	v15 =	vand.u32 $0x3, v15  }
0x154: {  	v14 =	vor.u32 v15, v14  }
0x155: {  	[tilespmem:s23+$0x0] =	vst v14  }
0x156: {  	v14 =	vld [tilespmem:s22+$0x160];
	_ =	sdelay $0x4  }
0x157: {  	v32 =	vshll.u32 v14, $0x2;
	v16 =	vshrl.u32 v14, $0xF  }
0x158: {  	v15 =	vand.u32 $0x1FFFC, v32;
	v16 =	vand.u32 $0x3, v16  }
0x159: {  	v15 =	vor.u32 v16, v15  }
0x15a: {  	[tilespmem:s23+$0x80] =	vst v15  }
0x15b: {  	v15 =	vld [tilespmem:s22+$0x180];
	_ =	sdelay $0x4  }
0x15c: {  	v33 =	vshll.u32 v15, $0x2;
	v17 =	vshrl.u32 v15, $0xF  }
0x15d: {  	v16 =	vand.u32 $0x1FFFC, v33;
	v17 =	vand.u32 $0x3, v17  }
0x15e: {  	v16 =	vor.u32 v17, v16  }
0x15f: {  	[tilespmem:s23+$0x100] =	vst v16  }
0x160: {  	v16 =	vld [tilespmem:s22+$0x1A0];
	_ =	sdelay $0x4  }
0x161: {  	v34 =	vshll.u32 v16, $0x2;
	v18 =	vshrl.u32 v16, $0xF  }
0x162: {  	v17 =	vand.u32 $0x1FFFC, v34;
	v18 =	vand.u32 $0x3, v18  }
0x163: {  	v17 =	vor.u32 v18, v17  }
0x164: {  	[tilespmem:s23+$0x180] =	vst v17  }
0x165: {  	v17 =	vld [tilespmem:s22+$0x1C0];
	_ =	sdelay $0x4  }
0x166: {  	v35 =	vshll.u32 v17, $0x2;
	v19 =	vshrl.u32 v17, $0xF  }
0x167: {  	v18 =	vand.u32 $0x1FFFC, v35;
	v19 =	vand.u32 $0x3, v19  }
0x168: {  	v18 =	vor.u32 v19, v18  }
0x169: {  	[tilespmem:s23+$0x200] =	vst v18  }
0x16a: {  	v18 =	vld [tilespmem:s22+$0x1E0]  }
0x16b: {  	vm0 =	vlt.s32 v3, $0x186A0;
	vm1 =	vlt.s32 v4, $0x186A0  }
0x16c: {  	v20 =	vsel vm0, $0x3F800000, v1;
	v3 =	vsel vm1, $0x3F800000, v1  }
0x16d: {  	v3 =	vadd.f32 v3, v20;
	vm10 =	vlt.s32 v5, $0x186A0  }
0x16e: {  	v5 =	vsel vm10, $0x3F800000, v1  }
0x16f: {  	v3 =	vadd.f32 v5, v3;
	v36 =	vshll.u32 v18, $0x2;
	v37 =	vshrl.u32 v18, $0xF  }
0x170: {  	vm11 =	vlt.s32 v6, $0x186A0;
	v4 =	vand.u32 $0x1FFFC, v36;
	v19 =	vand.u32 $0x3, v37  }
0x171: {  	v38 =	vsel vm11, $0x3F800000, v1;
	v4 =	vor.u32 v19, v4  }
0x172: {  	v3 =	vadd.f32 v38, v3;
	vm12 =	vlt.s32 v7, $0x186A0;
	[tilespmem:s23+$0x280] =	vst v4  }
0x173: {  	v39 =	vsel vm12, $0x3F800000, v1;
	v4 =	vld [tilespmem:s22+$0x200]  }
0x174: {  	v3 =	vadd.f32 v39, v3;
	vm13 =	vlt.s32 v8, $0x186A0  }
0x175: {  	v40 =	vsel vm13, $0x3F800000, v1  }
0x176: {  	v3 =	vadd.f32 v40, v3;
	vm14 =	vlt.s32 v9, $0x186A0  }
0x177: {  	v44 =	vsel vm14, $0x3F800000, v1  }
0x178: {  	v3 =	vadd.f32 v44, v3;
	v41 =	vshll.u32 v4, $0x2;
	v42 =	vshrl.u32 v4, $0xF  }
0x179: {  	vm15 =	vlt.s32 v10, $0x186A0;
	v5 =	vand.u32 $0x1FFFC, v41;
	v43 =	vand.u32 $0x3, v42  }
0x17a: {  	v45 =	vsel vm15, $0x3F800000, v1;
	v5 =	vor.u32 v43, v5  }
0x17b: {  	v3 =	vadd.f32 v45, v3;
	vm4 =	vlt.s32 v11, $0x186A0;
	[tilespmem:s23+$0x300] =	vst v5  }
0x17c: {  	v47 =	vsel vm4, $0x3F800000, v1;
	v46 =	vld [tilespmem:s22+$0x220]  }
0x17d: {  	v3 =	vadd.f32 v47, v3;
	vm5 =	vlt.s32 v12, $0x186A0  }
0x17e: {  	v48 =	vsel vm5, $0x3F800000, v1  }
0x17f: {  	v3 =	vadd.f32 v48, v3;
	vm6 =	vlt.s32 v13, $0x186A0  }
0x180: {  	v51 =	vsel vm6, $0x3F800000, v1  }
0x181: {  	v3 =	vadd.f32 v51, v3;
	v49 =	vshll.u32 v46, $0x2;
	v50 =	vshrl.u32 v46, $0xF  }
0x182: {  	vm7 =	vlt.s32 v14, $0x186A0;
	v5 =	vand.u32 $0x1FFFC, v49;
	v7 =	vand.u32 $0x3, v50  }
0x183: {  	v52 =	vsel vm7, $0x3F800000, v1;
	v5 =	vor.u32 v7, v5  }
0x184: {  	v3 =	vadd.f32 v52, v3;
	vm8 =	vlt.s32 v15, $0x186A0;
	[tilespmem:s23+$0x380] =	vst v5  }
0x185: {  	v53 =	vsel vm8, $0x3F800000, v1;
	v5 =	vld [tilespmem:s22+$0x240]  }
0x186: {  	v3 =	vadd.f32 v53, v3;
	vm9 =	vlt.s32 v16, $0x186A0  }
0x187: {  	v54 =	vsel vm9, $0x3F800000, v1  }
0x188: {  	v3 =	vadd.f32 v54, v3;
	vm10 =	vlt.s32 v17, $0x186A0  }
0x189: {  	v55 =	vsel vm10, $0x3F800000, v1  }
0x18a: {  	v3 =	vadd.f32 v55, v3;
	v56 =	vshll.u32 v5, $0x2;
	v57 =	vshrl.u32 v5, $0xF  }
0x18b: {  	vm11 =	vlt.s32 v18, $0x186A0;
	v7 =	vand.u32 $0x1FFFC, v56;
	v58 =	vand.u32 $0x3, v57  }
0x18c: {  	v59 =	vsel vm11, $0x3F800000, v1;
	v7 =	vor.u32 v58, v7  }
0x18d: {  	v3 =	vadd.f32 v59, v3;
	vm12 =	vlt.s32 v4, $0x186A0;
	[tilespmem:s23+$0x400] =	vst v7  }
0x18e: {  	v4 =	vsel vm12, $0x3F800000, v1;
	v7 =	vld [tilespmem:s22+$0x260]  }
0x18f: {  	v3 =	vadd.f32 v4, v3;
	vm13 =	vlt.s32 v46, $0x186A0  }
0x190: {  	v60 =	vsel vm13, $0x3F800000, v1  }
0x191: {  	v3 =	vadd.f32 v60, v3;
	vm14 =	vlt.s32 v5, $0x186A0  }
0x192: {  	v61 =	vsel vm14, $0x3F800000, v1  }
0x193: {  	v3 =	vadd.f32 v61, v3;
	vm15 =	vlt.s32 v7, $0x186A0  }
0x194: {  	v62 =	vsel vm15, $0x3F800000, v1  }
0x195: {  	v3 =	vadd.f32 v62, v3;
	_ =	sdelay $0x1  }
0x196: {  	v3 =	vmax.f32 v3, $1.000000000e+00  }
0x197: {  	(erf) = vrcp.f32 v3;
	_ =	sdelay $0x3  }
0x198: {  	v63 =	vshrl.u32 v7, $0xF;
	v3 =	vshll.u32 v7, $0x2  }
0x199: {  	v4 =	vand.u32 $0x3, v63;
	v3 =	vand.u32 $0x1FFFC, v3  }
0x19a: {  	v3 =	vor.u32 v4, v3;
	_ =	sdelay $0x2  }
0x19b: {  	s30 =	sadd.s32 $0x10, s24;
	[tilespmem:s23+$0x480] =	vst v3;
	v3 =	vpop (erf)  }
0x19c: {  	[tilespmem:s30+$0x0] =	vst v3  }
0x19d: {  	[tilespmem:s17+$0xFFFFFF80] =	vst v1  }
0x19e: {  	[tilespmem:s17+$0x70] =	vst v1  }
0x19f: {  	[tilespmem:s17+$0x60] =	vst v1  }
0x1a0: {  	[tilespmem:s17+$0x50] =	vst v1  }
0x1a1: {  	[tilespmem:s17+$0x40] =	vst v1  }
0x1a2: {  	[tilespmem:s17+$0x30] =	vst v1  }
0x1a3: {  	[tilespmem:s17+$0x20] =	vst v1  }
0x1a4: {  	[tilespmem:s17+$0x10] =	vst v1  }
0x1a5: {  	[tilespmem:s17+$0x0] =	vst v1  }
0x1a6: {  	[tilespmem:s17+$0xFFFFFFF0] =	vst v1  }
0x1a7: {  	[tilespmem:s17+$0xFFFFFFE0] =	vst v1  }
0x1a8: {  	[tilespmem:s17+$0xFFFFFFD0] =	vst v1  }
0x1a9: {  	s31 =	sshll.u32 s20, $0xE;
	[tilespmem:s17+$0xFFFFFFC0] =	vst v1  }
0x1aa: {  	s22 =	sshra.s32 s31, $0x2;
	[tilespmem:s17+$0xFFFFFFB0] =	vst v1  }
0x1ab: {  	s24 =	smov.u32 s17;
	s22 =	sadd.s32 $0x9600, s22;
	s23 =	simm.s32 $0x0;
	[tilespmem:s17+$0xFFFFFFA0] =	vst v1  }
.LBB2_5:
0x1ac: {  	s23 =	sadd.s32 $0x8, s23;
	[tilespmem:s24+$0xFFFFFF90] =	vst v1;
	s24 =	sadd.s32 $0x100, s24  }
0x1ad: {  	[tilespmem:s24+$0xFFFFFF80] =	vst v1;
	p0 =	slt.u32 s23, $0x78  }
0x1ae: {  	[tilespmem:s24+$0x70] =	vst v1  }
0x1af: {  	[tilespmem:s24+$0x60] =	vst v1  }
0x1b0: {  	[tilespmem:s24+$0x50] =	vst v1  }
0x1b1: {  	[tilespmem:s24+$0x40] =	vst v1  }
0x1b2: {  	[tilespmem:s24+$0x30] =	vst v1  }
0x1b3: {  	[tilespmem:s24+$0x20] =	vst v1  }
0x1b4: {  	[tilespmem:s24+$0x10] =	vst v1  }
0x1b5: {  	[tilespmem:s24+$0x0] =	vst v1  }
0x1b6: {  	[tilespmem:s24+$0xFFFFFFF0] =	vst v1  }
.Ltmp3:
0x1b7: {  	[tilespmem:s24+$0xFFFFFFE0] =	vst v1;
	(pc) =	sbr.rel @p0 .LBB2_5-.Ltmp3, $4  }
0x1b8: {  	[tilespmem:s24+$0xFFFFFFD0] =	vst v1  }
0x1b9: {  	[tilespmem:s24+$0xFFFFFFC0] =	vst v1  }
0x1ba: {  	[tilespmem:s24+$0xFFFFFFB0] =	vst v1  }
0x1bb: {  	[tilespmem:s24+$0xFFFFFFA0] =	vst v1  }
0x1bc: {  	[tilespmem:s24+$0xFFFFFF90] =	vst v1;
	s20 =	sadd.s32 $0x2, s20  }
0x1bd: {  	[tilespmem:s22], [sflag:s20] =	stream.indirect.gather.add.f32 [hbm:s5], $0x20, s21, s12, $0xb8;
	[tilespmem:$0x18080] =	vst v63  }
0x1be: {  	s29 =	sadd.s32 $0x1480, s19  }
0x1bf: {  	[tilespmem:s22], [sflag:s20] =	stream.indirect.gather.add.f32 [hbm:s5], $0x20, s29, s12, $0xb8;
	[tilespmem:$0x18080] =	vst v63  }
0x1c0: {  	s30 =	sadd.s32 $0x1500, s19  }
0x1c1: {  	[tilespmem:s22], [sflag:s20] =	stream.indirect.gather.add.f32 [hbm:s5], $0x20, s30, s12, $0xb8;
	[tilespmem:$0x18080] =	vst v63  }
0x1c2: {  	s31 =	sadd.s32 $0x1580, s19  }
0x1c3: {  	[tilespmem:s22], [sflag:s20] =	stream.indirect.gather.add.f32 [hbm:s5], $0x20, s31, s12, $0xb8;
	[tilespmem:$0x18080] =	vst v63  }
0x1c4: {  	s23 =	sadd.s32 $0x1600, s19  }
0x1c5: {  	[tilespmem:s22], [sflag:s20] =	stream.indirect.gather.add.f32 [hbm:s5], $0x20, s23, s12, $0xb8;
	[tilespmem:$0x18080] =	vst v63  }
0x1c6: {  	s24 =	sadd.s32 $0x1680, s19  }
0x1c7: {  	[tilespmem:s22], [sflag:s20] =	stream.indirect.gather.add.f32 [hbm:s5], $0x20, s24, s12, $0xb8;
	[tilespmem:$0x18080] =	vst v63  }
0x1c8: {  	s25 =	sadd.s32 $0x1700, s19  }
0x1c9: {  	[tilespmem:s22], [sflag:s20] =	stream.indirect.gather.add.f32 [hbm:s5], $0x20, s25, s12, $0xb8;
	[tilespmem:$0x18080] =	vst v63  }
0x1ca: {  	s26 =	sadd.s32 $0x1780, s19  }
0x1cb: {  	[tilespmem:s22], [sflag:s20] =	stream.indirect.gather.add.f32 [hbm:s5], $0x20, s26, s12, $0xb8;
	[tilespmem:$0x18080] =	vst v63  }
0x1cc: {  	s28 =	sadd.s32 $0x1800, s19  }
0x1cd: {  	[tilespmem:s22], [sflag:s20] =	stream.indirect.gather.add.f32 [hbm:s5], $0x20, s28, s12, $0xb8;
	[tilespmem:$0x18080] =	vst v63  }
0x1ce: {  	s29 =	sadd.s32 $0x1880, s19  }
0x1cf: {  	[tilespmem:s22], [sflag:s20] =	stream.indirect.gather.add.f32 [hbm:s5], $0x20, s29, s12, $0xb8;
	[tilespmem:$0x18080] =	vst v63  }
0x1d0: {  	s30 =	sadd.s32 $0x1900, s19  }
0x1d1: {  	[tilespmem:s22], [sflag:s20] =	stream.indirect.gather.add.f32 [hbm:s5], $0x20, s30, s12, $0xb8;
	[tilespmem:$0x18080] =	vst v63  }
0x1d2: {  	s31 =	sadd.s32 $0x1980, s19  }
0x1d3: {  	[tilespmem:s22], [sflag:s20] =	stream.indirect.gather.add.f32 [hbm:s5], $0x20, s31, s12, $0xb8;
	[tilespmem:$0x18080] =	vst v63  }
0x1d4: {  	s23 =	sadd.s32 $0x1A00, s19  }
0x1d5: {  	[tilespmem:s22], [sflag:s20] =	stream.indirect.gather.add.f32 [hbm:s5], $0x20, s23, s12, $0xb8;
	[tilespmem:$0x18080] =	vst v63  }
0x1d6: {  	s24 =	sadd.s32 $0x1A80, s19  }
0x1d7: {  	[tilespmem:s22], [sflag:s20] =	stream.indirect.gather.add.f32 [hbm:s5], $0x20, s24, s12, $0xb8;
	[tilespmem:$0x18080] =	vst v63  }
0x1d8: {  	s25 =	sadd.s32 $0x1B00, s19  }
0x1d9: {  	[tilespmem:s22], [sflag:s20] =	stream.indirect.gather.add.f32 [hbm:s5], $0x20, s25, s12, $0xb8;
	[tilespmem:$0x18080] =	vst v63  }
0x1da: {  	s26 =	sadd.s32 $0x1B80, s19  }
0x1db: {  	[tilespmem:s22], [sflag:s20] =	stream.indirect.gather.add.f32 [hbm:s5], $0x20, s26, s12, $0xb8;
	[tilespmem:$0x18080] =	vst v63  }
0x1dc: {  	s28 =	sadd.s32 $0x1C00, s19  }
0x1dd: {  	[tilespmem:s22], [sflag:s20] =	stream.indirect.gather.add.f32 [hbm:s5], $0x20, s28, s12, $0xb8;
	[tilespmem:$0x18080] =	vst v63  }
0x1de: {  	p0 =	seq.s32 s18, $0xD;
	s29 =	sadd.s32 $0x1C80, s19  }
0x1df: {  	[tilespmem:s22], [sflag:s20] =	stream.indirect.gather.add.f32 [hbm:s5], $0x20, s29, s12, $0xb8;
	[tilespmem:$0x18080] =	vst v63  }
.Ltmp4:
0x1e0: {  	s30 =	sadd.s32 $0x1D00, s19;
	(pc) =	sbr.rel @!p0 .LBB2_2-.Ltmp4, $4  }
0x1e1: {  	[tilespmem:s22], [sflag:s20] =	stream.indirect.gather.add.f32 [hbm:s5], $0x20, s30, s12, $0xb8;
	[tilespmem:$0x18080] =	vst v63  }
0x1e2: {  	s15 =	sadd.s32 $0x80, s15;
	s31 =	sadd.s32 $0x1D80, s19  }
0x1e3: {  	[tilespmem:s22], [sflag:s20] =	stream.indirect.gather.add.f32 [hbm:s5], $0x20, s31, s12, $0xb8;
	[tilespmem:$0x18080] =	vst v63  }
0x1e4: {  	s16 =	sadd.s32 $0xA00, s16;
	s17 =	sadd.s32 $0x1000, s17;
	s20 =	smov.u32 s18  }
.Ltmp5:
0x1e5: {  	(pc) =	sbr.rel .LBB2_8-.Ltmp5, $2  }
0x1e6: {  	_ =	sdelay $0x2  }
0x1e7: {  	s15 =	simm.s32 $0x0;
	s16 =	simm.s32 $0x9600  }
.LBB2_16:
0x1e8: {  	s15 =	sadd.s32 $0x1, s15  }
0x1e9: {  	p0 =	sne.s32 s15, $0xD  }
.Ltmp6:
0x1ea: {  	_ = 	snop;
	(pc) =	sbr.rel @!p0 .LBB2_17-.Ltmp6, $2  }
0x1eb: {  	_ =	sdelay $0x2  }
0x1ec: {  	s16 =	sadd.s32 $0x1000, s16  }
.LBB2_8:
0x1ed: {  	s18 =	sadd.s32 $0x2, s15  }
0x1ee: {  	_ =	swait.ge [sflag:s18], $0x1000  }
0x1ef: {  	[sflag:s18] =	ssyncset.done $0x0  }
0x1f0: {  	[sflag:s18] =	ssyncadd.s32 $0xFFFFF000  }
0x1f1: {  	_ =	swait.ge [sflag:s18], $0x1000  }
0x1f2: {  	[sflag:s18] =	ssyncset.done $0x0  }
0x1f3: {  	[sflag:s18] =	ssyncadd.s32 $0xFFFFF000  }
0x1f4: {  	_ =	swait.ge [sflag:s18], $0x1000  }
0x1f5: {  	[sflag:s18] =	ssyncset.done $0x0  }
0x1f6: {  	[sflag:s18] =	ssyncadd.s32 $0xFFFFF000  }
0x1f7: {  	_ =	swait.ge [sflag:s18], $0x1000  }
0x1f8: {  	[sflag:s18] =	ssyncset.done $0x0  }
0x1f9: {  	[sflag:s18] =	ssyncadd.s32 $0xFFFFF000  }
0x1fa: {  	_ =	swait.ge [sflag:s18], $0x1000  }
0x1fb: {  	[sflag:s18] =	ssyncset.done $0x0  }
0x1fc: {  	[sflag:s18] =	ssyncadd.s32 $0xFFFFF000  }
0x1fd: {  	_ =	swait.ge [sflag:s18], $0x1000  }
0x1fe: {  	[sflag:s18] =	ssyncset.done $0x0  }
0x1ff: {  	[sflag:s18] =	ssyncadd.s32 $0xFFFFF000  }
0x200: {  	_ =	swait.ge [sflag:s18], $0x1000  }
0x201: {  	[sflag:s18] =	ssyncset.done $0x0  }
0x202: {  	[sflag:s18] =	ssyncadd.s32 $0xFFFFF000  }
0x203: {  	_ =	swait.ge [sflag:s18], $0x1000  }
0x204: {  	[sflag:s18] =	ssyncset.done $0x0  }
0x205: {  	[sflag:s18] =	ssyncadd.s32 $0xFFFFF000  }
0x206: {  	_ =	swait.ge [sflag:s18], $0x1000  }
0x207: {  	[sflag:s18] =	ssyncset.done $0x0  }
0x208: {  	[sflag:s18] =	ssyncadd.s32 $0xFFFFF000  }
0x209: {  	_ =	swait.ge [sflag:s18], $0x1000  }
0x20a: {  	[sflag:s18] =	ssyncset.done $0x0  }
0x20b: {  	[sflag:s18] =	ssyncadd.s32 $0xFFFFF000  }
0x20c: {  	_ =	swait.ge [sflag:s18], $0x1000  }
0x20d: {  	[sflag:s18] =	ssyncset.done $0x0  }
0x20e: {  	[sflag:s18] =	ssyncadd.s32 $0xFFFFF000  }
0x20f: {  	_ =	swait.ge [sflag:s18], $0x1000  }
0x210: {  	[sflag:s18] =	ssyncset.done $0x0  }
0x211: {  	[sflag:s18] =	ssyncadd.s32 $0xFFFFF000  }
0x212: {  	_ =	swait.ge [sflag:s18], $0x1000  }
0x213: {  	[sflag:s18] =	ssyncset.done $0x0  }
0x214: {  	[sflag:s18] =	ssyncadd.s32 $0xFFFFF000  }
0x215: {  	_ =	swait.ge [sflag:s18], $0x1000  }
0x216: {  	[sflag:s18] =	ssyncset.done $0x0  }
0x217: {  	[sflag:s18] =	ssyncadd.s32 $0xFFFFF000  }
0x218: {  	_ =	swait.ge [sflag:s18], $0x1000  }
0x219: {  	[sflag:s18] =	ssyncset.done $0x0  }
0x21a: {  	[sflag:s18] =	ssyncadd.s32 $0xFFFFF000  }
0x21b: {  	_ =	swait.ge [sflag:s18], $0x1000  }
0x21c: {  	[sflag:s18] =	ssyncset.done $0x0  }
0x21d: {  	[sflag:s18] =	ssyncadd.s32 $0xFFFFF000  }
0x21e: {  	_ =	swait.ge [sflag:s18], $0x1000  }
0x21f: {  	[sflag:s18] =	ssyncset.done $0x0  }
0x220: {  	[sflag:s18] =	ssyncadd.s32 $0xFFFFF000  }
0x221: {  	_ =	swait.ge [sflag:s18], $0x1000  }
0x222: {  	[sflag:s18] =	ssyncset.done $0x0  }
0x223: {  	[sflag:s18] =	ssyncadd.s32 $0xFFFFF000  }
0x224: {  	p0 =	seq.s32 s15, $0xC;
	s17 =	simm.s32 $0x40;
	_ =	swait.ge [sflag:s18], $0x1000  }
.Ltmp7:
0x225: {  	s19 =	sshll.u32 s15, $0x7;
	[sflag:s18] =	ssyncset.done $0x0;
	(pc) =	sbr.rel .LBB2_9-.Ltmp7, $4  }
0x226: {  	s20 =	simm.s32 $0x16C80;
	s17 =	simm.s32 @!p0 $0x0;
	[sflag:s18] =	ssyncadd.s32 $0xFFFFF000  }
0x227: {  	s19 =	sand.u32 $0x3FFFFF80, s19;
	s31 =	sshll.u32 s17, $0x5;
	_ =	swait.ge [sflag:s18], $0x1000  }
0x228: {  	s21 =	sadd.s32 $0x16600, s19;
	s19 =	sadd.s32 s31, s16;
	[sflag:s18] =	ssyncset.done $0x0  }
0x229: {  	v3 =	vmov s21;
	s21 =	simm.s32 $0x0;
	[sflag:s18] =	ssyncadd.s32 $0xFFFFF000;
	s18 =	sshll.u32 s15, $0x2  }
.LBB2_14:
0x22a: {  	[hbm4b:s26+s3] =	stream.linear.scatter [tilespmem:s25], [sflag:$0xF], $0x20, $0x38;
	[tilespmem:$0x18080] =	vst v63  }
.LBB2_15:
0x22b: {  	s21 =	sadd.s32 $0x1, s21  }
0x22c: {  	p0 =	sne.s32 s21, $0x4  }
.Ltmp8:
0x22d: {  	_ = 	snop;
	(pc) =	sbr.rel @!p0 .LBB2_16-.Ltmp8, $2  }
0x22e: {  	_ =	sdelay $0x2  }
0x22f: {  	s19 =	sadd.s32 $0x400, s19;
	s20 =	sadd.s32 $0x500, s20  }
.LBB2_9:
0x230: {  	s22 =	sadd.s32 s18, s21  }
0x231: {  	p0 =	sgt.u32 s22, $0x31  }
.Ltmp9:
0x232: {  	_ = 	snop;
	(pc) =	sbr.rel @p0 .LBB2_15-.Ltmp9, $1  }
0x233: {  	_ =	sdelay $0x3  }
0x234: {  	p0 =	slt.u32 s22, $0x4  }
0x235: {  	s23 =	simm.s32 @!p0 $0xF  }
0x236: {  	s30 =	simm.s32 $0x0;
	_ =	swait.ge @!p0 [sflag:s23], $0x400  }
0x237: {  	v6 =	vmov s30;
	[sflag:s23] =	ssyncset.done @!p0 $0x0  }
0x238: {  	v7 =	vand.u32 $0x1F, v6;
	[sflag:s23] =	ssyncadd.s32 @!p0 $0xFFFFFC00  }
0x239: {  	v8 =	vadd.s32 v0, v7;
	v6 =	vld [tilespmem:s19+$0x0]  }
0x23a: {  	s24 =	sshll.u32 s21, $0x5;
	s25 =	smul.u32 $0x1400, s21  }
0x23b: {  	s24 =	sadd.s32 s17, s24  }
0x23c: {  	s23 =	sshra.s32 s25, $0x2;
	v5 =	vld.idx.msk [tilespmem:v3+s24+$0x0 ss:$0x1], $0xffff  }
0x23d: {  	v4 =	vld.idx.msk [tilespmem:v3+s24+$0x10 ss:$0x1], $0xffff;
	s24 =	sadd.s32 $0x16C80, s23  }
0x23e: {  	[tilespmem:v8+s24+$0x0] =	vst.idx.msk $0xffff, v6  }
0x23f: {  	v7 =	vadd.s32 v2, v7;
	v6 =	vld [tilespmem:s19+$0x10];
	_ =	sdelay $0x2  }
0x240: {  	s31 =	simm.s32 $0x1  }
0x241: {  	s26 =	simm.s32 $0x2;
	s25 =	smov.u32 s19;
	v8 =	vmov s31  }
.LBB2_11:
0x242: {  	p0 =	seq.s32 s26, $0x1F;
	v8 =	vand.u32 $0x1F, v8;
	[tilespmem:v7+s24+$0x0] =	vst.idx.msk $0xffff, v6;
	s25 =	sadd.s32 $0x20, s25  }
0x243: {  	v6 =	vld [tilespmem:s25+$0x0];
	v7 =	vadd.s32 v0, v8;
	_ =	sdelay $0x4  }
0x244: {  	[tilespmem:v7+s24+$0x0] =	vst.idx.msk $0xffff, v6  }
.Ltmp10:
0x245: {  	v7 =	vadd.s32 v2, v8;
	v6 =	vld [tilespmem:s25+$0x10];
	(pc) =	sbr.rel @!p0 .LBB2_11-.Ltmp10, $2  }
0x246: {  	_ =	sdelay $0x2  }
0x247: {  	v8 =	vmov s26;
	s26 =	sadd.s32 $0x1, s26  }
0x248: {  	_ =	sdelay $0x3  }
0x249: {  	v8 =	vand.u32 $0x1F, v8;
	[tilespmem:v7+s24+$0x0] =	vst.idx.msk $0xffff, v6;
	s25 =	sadd.s32 $0x20, s25  }
0x24a: {  	v6 =	vld [tilespmem:s25+$0x0];
	v41 =	vadd.s32 v0, v8;
	_ =	sdelay $0x4  }
0x24b: {  	[tilespmem:v41+s24+$0x0] =	vst.idx.msk $0xffff, v6  }
0x24c: {  	v42 =	vadd.s32 v2, v8;
	v6 =	vld [tilespmem:s25+$0x10];
	_ =	sdelay $0x4  }
0x24d: {  	[tilespmem:v42+s24+$0x0] =	vst.idx.msk $0xffff, v6  }
0x24e: {  	v6 =	vld [tilespmem:s23+$0x16C80]  }
0x24f: {  	v7 =	vld [tilespmem:s23+$0x16C90]  }
0x250: {  	v43 =	vld [tilespmem:s23+$0x16CA8]  }
0x251: {  	v9 =	vld [tilespmem:s23+$0x16CB8]  }
0x252: {  	v10 =	vld [tilespmem:s23+$0x16CD0]  }
0x253: {  	v11 =	vld [tilespmem:s23+$0x16CE0];
	v6 =	vmul.f32 v6, v5  }
0x254: {  	v12 =	vld [tilespmem:s23+$0x16CF8];
	v7 =	vmul.f32 v7, v4  }
0x255: {  	v45 =	vld [tilespmem:s23+$0x16D08];
	v44 =	vmul.f32 v43, v5;
	[tilespmem:s23+$0x16C80] =	vst v6  }
0x256: {  	v47 =	vld [tilespmem:s23+$0x16D20];
	v46 =	vmul.f32 v9, v4;
	[tilespmem:s23+$0x16C90] =	vst v7  }
0x257: {  	v49 =	vld [tilespmem:s23+$0x16D30];
	v48 =	vmul.f32 v10, v5;
	[tilespmem:s23+$0x16CA8] =	vst v44  }
0x258: {  	v51 =	vld [tilespmem:s23+$0x16D48];
	v50 =	vmul.f32 v11, v4;
	[tilespmem:s23+$0x16CB8] =	vst v46  }
0x259: {  	v53 =	vld [tilespmem:s23+$0x16D58];
	v52 =	vmul.f32 v12, v5;
	[tilespmem:s23+$0x16CD0] =	vst v48  }
0x25a: {  	v55 =	vld [tilespmem:s23+$0x16D70];
	v54 =	vmul.f32 v45, v4;
	[tilespmem:s23+$0x16CE0] =	vst v50  }
0x25b: {  	v57 =	vld [tilespmem:s23+$0x16D80];
	v56 =	vmul.f32 v47, v5;
	[tilespmem:s23+$0x16CF8] =	vst v52  }
0x25c: {  	v59 =	vld [tilespmem:s23+$0x16D98];
	v58 =	vmul.f32 v49, v4;
	[tilespmem:s23+$0x16D08] =	vst v54  }
0x25d: {  	v61 =	vld [tilespmem:s23+$0x16DA8];
	v60 =	vmul.f32 v51, v5;
	[tilespmem:s23+$0x16D20] =	vst v56  }
0x25e: {  	v63 =	vld [tilespmem:s23+$0x16DC0];
	v62 =	vmul.f32 v53, v4;
	[tilespmem:s23+$0x16D30] =	vst v58  }
0x25f: {  	v16 =	vld [tilespmem:s23+$0x16DD0];
	v15 =	vmul.f32 v55, v5;
	[tilespmem:s23+$0x16D48] =	vst v60  }
0x260: {  	v18 =	vld [tilespmem:s23+$0x16DE8];
	v17 =	vmul.f32 v57, v4;
	[tilespmem:s23+$0x16D58] =	vst v62  }
0x261: {  	v20 =	vld [tilespmem:s23+$0x16DF8];
	v19 =	vmul.f32 v59, v5;
	[tilespmem:s23+$0x16D70] =	vst v15  }
0x262: {  	v22 =	vld [tilespmem:s23+$0x16E10];
	v21 =	vmul.f32 v61, v4;
	[tilespmem:s23+$0x16D80] =	vst v17  }
0x263: {  	v24 =	vld [tilespmem:s23+$0x16E20];
	v23 =	vmul.f32 v63, v5;
	[tilespmem:s23+$0x16D98] =	vst v19  }
0x264: {  	v26 =	vld [tilespmem:s23+$0x16E38];
	v25 =	vmul.f32 v16, v4;
	[tilespmem:s23+$0x16DA8] =	vst v21  }
0x265: {  	v28 =	vld [tilespmem:s23+$0x16E48];
	v27 =	vmul.f32 v18, v5;
	[tilespmem:s23+$0x16DC0] =	vst v23  }
0x266: {  	v30 =	vld [tilespmem:s23+$0x16E60];
	v29 =	vmul.f32 v20, v4;
	[tilespmem:s23+$0x16DD0] =	vst v25  }
0x267: {  	v32 =	vld [tilespmem:s23+$0x16E70];
	v31 =	vmul.f32 v22, v5;
	[tilespmem:s23+$0x16DE8] =	vst v27  }
0x268: {  	v34 =	vld [tilespmem:s23+$0x16E88];
	v33 =	vmul.f32 v24, v4;
	[tilespmem:s23+$0x16DF8] =	vst v29  }
0x269: {  	v36 =	vld [tilespmem:s23+$0x16E98];
	v35 =	vmul.f32 v26, v5;
	[tilespmem:s23+$0x16E10] =	vst v31  }
0x26a: {  	v38 =	vld [tilespmem:s23+$0x16EB0];
	v37 =	vmul.f32 v28, v4;
	[tilespmem:s23+$0x16E20] =	vst v33  }
0x26b: {  	v40 =	vld [tilespmem:s23+$0x16EC0];
	v39 =	vmul.f32 v30, v5;
	[tilespmem:s23+$0x16E38] =	vst v35  }
0x26c: {  	v42 =	vld [tilespmem:s23+$0x16ED8];
	v41 =	vmul.f32 v32, v4;
	[tilespmem:s23+$0x16E48] =	vst v37  }
0x26d: {  	v43 =	vmul.f32 v34, v5;
	v16 =	vld [tilespmem:s23+$0x16FB0];
	[tilespmem:s23+$0x16E60] =	vst v39  }
0x26e: {  	v45 =	vmul.f32 v36, v4;
	v18 =	vld [tilespmem:s23+$0x16FC8];
	[tilespmem:s23+$0x16E70] =	vst v41  }
0x26f: {  	v47 =	vmul.f32 v38, v5;
	v20 =	vld [tilespmem:s23+$0x16FD8];
	[tilespmem:s23+$0x16E88] =	vst v43  }
0x270: {  	v49 =	vmul.f32 v40, v4;
	v22 =	vld [tilespmem:s23+$0x16FF0];
	[tilespmem:s23+$0x16E98] =	vst v45  }
0x271: {  	v51 =	vmul.f32 v42, v5;
	v24 =	vld [tilespmem:s23+$0x17000];
	[tilespmem:s23+$0x16EB0] =	vst v47  }
0x272: {  	v26 =	vld [tilespmem:s23+$0x17018];
	[tilespmem:s23+$0x16EC0] =	vst v49;
	v25 =	vmul.f32 v16, v4  }
0x273: {  	v28 =	vld [tilespmem:s23+$0x17028];
	[tilespmem:s23+$0x16ED8] =	vst v51;
	v27 =	vmul.f32 v18, v5  }
0x274: {  	v30 =	vld [tilespmem:s23+$0x17040];
	v29 =	vmul.f32 v20, v4;
	[tilespmem:s23+$0x16FB0] =	vst v25  }
0x275: {  	v32 =	vld [tilespmem:s23+$0x17050];
	v31 =	vmul.f32 v22, v5;
	[tilespmem:s23+$0x16FC8] =	vst v27  }
0x276: {  	v34 =	vld [tilespmem:s23+$0x17068];
	v33 =	vmul.f32 v24, v4;
	[tilespmem:s23+$0x16FD8] =	vst v29  }
0x277: {  	v36 =	vld [tilespmem:s23+$0x17078];
	v35 =	vmul.f32 v26, v5;
	[tilespmem:s23+$0x16FF0] =	vst v31  }
0x278: {  	v38 =	vld [tilespmem:s23+$0x17090];
	v37 =	vmul.f32 v28, v4;
	[tilespmem:s23+$0x17000] =	vst v33  }
0x279: {  	v40 =	vld [tilespmem:s23+$0x170A0];
	v39 =	vmul.f32 v30, v5;
	[tilespmem:s23+$0x17018] =	vst v35  }
0x27a: {  	v42 =	vld [tilespmem:s23+$0x170B8];
	v41 =	vmul.f32 v32, v4;
	[tilespmem:s23+$0x17028] =	vst v37  }
0x27b: {  	v44 =	vld [tilespmem:s23+$0x16EE8];
	v43 =	vmul.f32 v34, v5;
	[tilespmem:s23+$0x17040] =	vst v39  }
0x27c: {  	v46 =	vld [tilespmem:s23+$0x16F00];
	v45 =	vmul.f32 v36, v4;
	[tilespmem:s23+$0x17050] =	vst v41  }
0x27d: {  	v48 =	vld [tilespmem:s23+$0x16F10];
	v47 =	vmul.f32 v38, v5;
	[tilespmem:s23+$0x17068] =	vst v43  }
0x27e: {  	v50 =	vld [tilespmem:s23+$0x16F28];
	v49 =	vmul.f32 v40, v4;
	[tilespmem:s23+$0x17078] =	vst v45  }
0x27f: {  	v52 =	vld [tilespmem:s23+$0x16F38];
	v51 =	vmul.f32 v42, v5;
	[tilespmem:s23+$0x17090] =	vst v47  }
0x280: {  	v54 =	vld [tilespmem:s23+$0x16F50];
	v53 =	vmul.f32 v44, v4;
	[tilespmem:s23+$0x170A0] =	vst v49  }
0x281: {  	v56 =	vld [tilespmem:s23+$0x16F60];
	v55 =	vmul.f32 v46, v5;
	[tilespmem:s23+$0x170B8] =	vst v51  }
0x282: {  	v58 =	vld [tilespmem:s23+$0x16F78];
	v57 =	vmul.f32 v48, v4;
	[tilespmem:s23+$0x16EE8] =	vst v53  }
0x283: {  	v60 =	vld [tilespmem:s23+$0x16F88];
	v59 =	vmul.f32 v50, v5;
	[tilespmem:s23+$0x16F00] =	vst v55  }
0x284: {  	v62 =	vld [tilespmem:s23+$0x16FA0];
	v61 =	vmul.f32 v52, v4;
	[tilespmem:s23+$0x16F10] =	vst v57  }
0x285: {  	v63 =	vmul.f32 v54, v5;
	v44 =	vld [tilespmem:s23+$0x170C8];
	[tilespmem:s23+$0x16F28] =	vst v59  }
0x286: {  	v17 =	vmul.f32 v56, v4;
	v46 =	vld [tilespmem:s23+$0x170E0];
	[tilespmem:s23+$0x16F38] =	vst v61  }
0x287: {  	v19 =	vmul.f32 v58, v5;
	v48 =	vld [tilespmem:s23+$0x170F0];
	[tilespmem:s23+$0x16F50] =	vst v63  }
0x288: {  	v21 =	vmul.f32 v60, v4;
	v50 =	vld [tilespmem:s23+$0x17108];
	[tilespmem:s23+$0x16F60] =	vst v17  }
0x289: {  	v23 =	vmul.f32 v62, v5;
	v52 =	vld [tilespmem:s23+$0x17118];
	[tilespmem:s23+$0x16F78] =	vst v19  }
0x28a: {  	v54 =	vld [tilespmem:s23+$0x17130];
	[tilespmem:s23+$0x16F88] =	vst v21;
	v53 =	vmul.f32 v44, v4  }
0x28b: {  	v56 =	vld [tilespmem:s23+$0x17140];
	[tilespmem:s23+$0x16FA0] =	vst v23;
	v55 =	vmul.f32 v46, v5  }
0x28c: {  	v58 =	vld [tilespmem:s23+$0x17158];
	v57 =	vmul.f32 v48, v4;
	[tilespmem:s23+$0x170C8] =	vst v53  }
0x28d: {  	v60 =	vld [tilespmem:s23+$0x17168];
	v59 =	vmul.f32 v50, v5;
	[tilespmem:s23+$0x170E0] =	vst v55  }
0x28e: {  	v61 =	vmul.f32 v52, v4;
	[tilespmem:s23+$0x170F0] =	vst v57  }
0x28f: {  	s22 =	sshll.u32 s22, $0xF;
	v62 =	vmul.f32 v54, v5;
	[tilespmem:s23+$0x17108] =	vst v59  }
0x290: {  	s22 =	sor.u32 s4, s22;
	v63 =	vmul.f32 v56, v4;
	[tilespmem:s23+$0x17118] =	vst v61  }
0x291: {  	s22 =	sshrl.u32 s22, $0x3;
	v5 =	vmul.f32 v58, v5;
	[tilespmem:s23+$0x17130] =	vst v62  }
0x292: {  	s22 =	sadd.s32 s6, s22;
	v4 =	vmul.f32 v60, v4;
	[tilespmem:s23+$0x17140] =	vst v63  }
0x293: {  	s26 =	sadd.s32 $0x0, s22;
	[tilespmem:s23+$0x17158] =	vst v5  }
0x294: {  	s25 =	smov.u32 s20;
	s24 =	sadd.s32 $0x28, s20;
	[tilespmem:s23+$0x17168] =	vst v4;
	s23 =	simm.s32 $0x80  }
.LBB2_13:
0x295: {  	[hbm4b:s26+s3] =	stream.linear.scatter [tilespmem:s25], [sflag:$0xF], $0x20, $0x38;
	[tilespmem:$0x18080] =	vst v63  }
0x296: {  	s26 =	smov.u32 s23;
	s25 =	smov.u32 s24;
	p0 =	sne.s32 s23, $0xF80  }
.Ltmp11:
0x297: {  	s23 =	sadd.s32 $0x80, s23;
	(pc) =	sbr.rel @p0 .LBB2_13-.Ltmp11, $2  }
0x298: {  	_ =	sdelay $0x2  }
0x299: {  	s24 =	sadd.s32 $0x28, s24;
	s26 =	sadd.s32 s26, s22  }
.Ltmp12:
0x29a: {  	_ = 	snop;
	(pc) =	sbr.rel .LBB2_14-.Ltmp12, $1  }
0x29b: {  	_ =	sdelay $0x3  }
.LBB2_18:
0x29c: {  	_ =	sfence.sel $0x180000  }
0x29d: {  	[bflag:$0x0] =	sbarrier.arrive $0xFFFF  }
0x29e: {  	p0 =	sne.s32 s2, $0x0;
	_ =	strace $0x90000047  }
0x29f: {  	s0 =	sadd.s32 @!p0 $0x100000, s0;
	[bflag:$0x2] =	sbarrier.arrive $0xFFFF  }
0x2a0: {  	[sflag:s0] =	ssyncadd.tile.s32 @!p0 $0x1;
	_ =	shalt  }
.Lfunc_end2:
_tile_overlayer_lowered:
.L_overlay_start_2:
0x2a1: {  	(tag) =	ssettag $0x2  }
0x2a2: {  	s0 =	rddreg [dreg:$0x0];
	s2 =	stileid.u32  }
0x2a3: {  	s1 =	rddreg [dreg:$0x1];
	p0 =	sne.s32 s2, $0x0  }
0x2a4: {  	s3 =	rddreg [dreg:$0x2];
	[bflag:$0x3] =	sbarrier.arrive $0xFFFF;
	s2 =	simm.s32 @!p0 $0x1C10  }
0x2a5: {  	[timem:s3], [sflag:s2] =	dma.local @!p0 [hbm:s0], s1  }
0x2a6: {  	s0 =	simm.s32 @!p0 $0x10  }
0x2a7: {  	_ =	swait.ge @!p0 [sflag:s0], s1  }
0x2a8: {  	s1 =	ssub.s32 @!p0 $0x0, s1;
	[sflag:s0] =	ssyncset.done @!p0 $0x0  }
0x2a9: {  	[sflag:s0] =	ssyncadd.s32 @!p0 s1  }
0x2aa: {  	[bflag:$0x3] =	sbarrier.arrive $0xFFFF  }
0x2ab: {  	_ =	shalt  }

</sc_bundles>
